<compile_context>
chip_gen: v7x
topology: tpu7x:2x2x1
jax: 0.10.2.dev20260603
libtpu: 0.0.44.dev20260713+nightly
codegen_flags: <defaults>
</compile_context>

<pallas_src>
import functools

import jax
import jax.numpy as jnp
from jax import lax
from jax.experimental import pallas as pl
from jax.experimental.pallas import tpu as pltpu
from jax.experimental.pallas import tpu_sc as plsc

N = 10000
E = 160000
IND = 256
HID = 512
OUT = 64
H = 4
EPS = 1e-5

NB = 10
BLK = N // NB

N_TILES = 16
CHUNK = 128
NCH = 80
IDXB = 16
E_PER_TILE = NCH * CHUNK
E_PAD = N_TILES * E_PER_TILE
ACC_ROWS = 10240
RPT_ZERO = ACC_ROWS // N_TILES
RPT_OUT = 632
RPT_LAST = N - 15 * RPT_OUT
HALF = 2 * OUT


def _stats_body(h_ref, w1_ref, g1_ref, b1_ref, a_ref, c_ref, c_acc, s_acc):
    b = pl.program_id(0)

    @pl.when(b == 0)
    def _init():
        c_acc[...] = jnp.zeros_like(c_acc)
        s_acc[...] = jnp.zeros_like(s_acc)

    hb = h_ref[...]
    c_acc[...] += lax.dot_general(hb, hb, (((0,), (0,)), ((), ())),
                                  preferred_element_type=jnp.float32)
    s_acc[...] += jnp.sum(hb, axis=0, keepdims=True)

    @pl.when(b == NB - 1)
    def _finish():
        cm = c_acc[...]
        sm = s_acc[...]
        for i in range(H):
            w = w1_ref[i]
            mu = jnp.dot(sm, w, preferred_element_type=jnp.float32) / N
            ex2 = jnp.sum(w * jnp.dot(cm, w, preferred_element_type=jnp.float32),
                          axis=0, keepdims=True) / N
            var = ex2 - mu * mu
            istd = lax.rsqrt(var + EPS)
            g = g1_ref[i]
            a_ref[i] = g * istd
            c_ref[i] = b1_ref[i] - mu * g * istd


def _bn1_stats(h, W1, g1r, b1r):
    return pl.pallas_call(
        _stats_body,
        grid=(NB,),
        in_specs=[
            pl.BlockSpec((BLK, IND), lambda b: (b, 0)),
            pl.BlockSpec((H, IND, HID), lambda b: (0, 0, 0)),
            pl.BlockSpec((H, 1, HID), lambda b: (0, 0, 0)),
            pl.BlockSpec((H, 1, HID), lambda b: (0, 0, 0)),
        ],
        out_specs=[
            pl.BlockSpec((H, 1, HID), lambda b: (0, 0, 0)),
            pl.BlockSpec((H, 1, HID), lambda b: (0, 0, 0)),
        ],
        out_shape=[
            jax.ShapeDtypeStruct((H, 1, HID), jnp.float32),
            jax.ShapeDtypeStruct((H, 1, HID), jnp.float32),
        ],
        scratch_shapes=[
            pltpu.VMEM((IND, IND), jnp.float32),
            pltpu.VMEM((1, IND), jnp.float32),
        ],
    )(h, W1, g1r, b1r)


def _transform_body(h_ref, w1_ref, a_ref, c_ref, w2_ref, zl_ref, zr_ref):
    hb = h_ref[...]
    for i in range(H):
        z1 = jnp.dot(hb, w1_ref[i], preferred_element_type=jnp.float32)
        z1 = jnp.maximum(z1 * a_ref[i] + c_ref[i], 0.0)
        z = jnp.dot(z1.astype(jnp.bfloat16), w2_ref[i],
                    preferred_element_type=jnp.float32)
        tgt = zl_ref if i < 2 else zr_ref
        col = (i % 2) * OUT
        tgt[:, col:col + OUT] = z


def _transform(h, W1, a1, c1, W2):
    return pl.pallas_call(
        _transform_body,
        grid=(NB,),
        in_specs=[
            pl.BlockSpec((BLK, IND), lambda b: (b, 0)),
            pl.BlockSpec((H, IND, HID), lambda b: (0, 0, 0)),
            pl.BlockSpec((H, 1, HID), lambda b: (0, 0, 0)),
            pl.BlockSpec((H, 1, HID), lambda b: (0, 0, 0)),
            pl.BlockSpec((H, HID, OUT), lambda b: (0, 0, 0)),
        ],
        out_specs=[
            pl.BlockSpec((BLK, HALF), lambda b: (b, 0)),
            pl.BlockSpec((BLK, HALF), lambda b: (b, 0)),
        ],
        out_shape=[
            jax.ShapeDtypeStruct((N, HALF), jnp.float32),
            jax.ShapeDtypeStruct((N, HALF), jnp.float32),
        ],
    )(h, W1, a1, c1, W2)


def _seg_body(zl_hbm, zr_hbm, src_hbm, dst_hbm, zeros_hbm,
              aggl_hbm, aggr_hbm,
              src_v, dst_v, buf_a, buf_b, acc, sem_a, sem_b):
    c = lax.axis_index("c")
    s = lax.axis_index("s")

    pltpu.sync_copy(zeros_hbm, acc.at[pl.ds(s * RPT_ZERO, RPT_ZERO)])
    plsc.subcore_barrier()

    def run(z_hbm, agg_hbm):
        def stage(st, carry):
            pltpu.sync_copy(src_hbm.at[s, pl.ds(st * IDXB, IDXB)], src_v)
            pltpu.sync_copy(dst_hbm.at[s, pl.ds(st * IDXB, IDXB)], dst_v)
            pltpu.async_copy(z_hbm.at[src_v.at[0]], buf_a, sem_a)

            def body(jj, c2):
                j = 2 * jj
                pltpu.make_async_copy(z_hbm.at[src_v.at[j]], buf_a, sem_a).wait()
                pltpu.async_copy(z_hbm.at[src_v.at[j + 1]], buf_b, sem_b)
                pltpu.sync_copy(buf_a, acc.at[dst_v.at[j]], add=True)
                pltpu.make_async_copy(z_hbm.at[src_v.at[j + 1]], buf_b,
                                      sem_b).wait()

                @pl.when(jj < IDXB // 2 - 1)
                def _fire_next():
                    pltpu.async_copy(z_hbm.at[src_v.at[j + 2]], buf_a, sem_a)

                pltpu.sync_copy(buf_b, acc.at[dst_v.at[j + 1]], add=True)
                return c2

            lax.fori_loop(0, IDXB // 2, body, 0)
            return carry

        lax.fori_loop(0, NCH // IDXB, stage, 0)
        plsc.subcore_barrier()
        @pl.when(s < N_TILES - 1)
        def _most():
            pltpu.sync_copy(acc.at[pl.ds(s * RPT_OUT, RPT_OUT)],
                            agg_hbm.at[pl.ds(s * RPT_OUT, RPT_OUT)])

        @pl.when(s == N_TILES - 1)
        def _last():
            pltpu.sync_copy(acc.at[pl.ds(15 * RPT_OUT, RPT_LAST)],
                            agg_hbm.at[pl.ds(15 * RPT_OUT, RPT_LAST)])

    @pl.when(c == 0)
    def _left():
        run(zl_hbm, aggl_hbm)

    @pl.when(c == 1)
    def _right():
        run(zr_hbm, aggr_hbm)


@functools.cache
def _seg_kernel():
    return pl.kernel(
        _seg_body,
        out_type=[
            jax.ShapeDtypeStruct((N, HALF), jnp.float32),
            jax.ShapeDtypeStruct((N, HALF), jnp.float32),
        ],
        mesh=plsc.VectorSubcoreMesh(core_axis_name="c", subcore_axis_name="s"),
        scratch_types=[
            pltpu.VMEM((IDXB, CHUNK), jnp.int32),
            pltpu.VMEM((IDXB, CHUNK), jnp.int32),
            pltpu.VMEM((CHUNK, HALF), jnp.float32),
            pltpu.VMEM((CHUNK, HALF), jnp.float32),
            pltpu.VMEM_SHARED((ACC_ROWS, HALF), jnp.float32),
            pltpu.SemaphoreType.DMA,
            pltpu.SemaphoreType.DMA,
        ],
    )


def _segment_sum_sc(zl, zr, src_p, dst_p, zeros_blk):
    return _seg_kernel()(zl, zr, src_p, dst_p, zeros_blk)


def _bn2_body(aggl_ref, aggr_ref, h_ref, gh_ref, bh_ref, out_ref,
              s_acc, q_acc, sc_ref, sh_ref):
    p = pl.program_id(0)
    b = pl.program_id(1)

    @pl.when((p == 0) & (b == 0))
    def _init():
        s_acc[...] = jnp.zeros_like(s_acc)
        q_acc[...] = jnp.zeros_like(q_acc)

    agg = jnp.concatenate([aggl_ref[...], aggr_ref[...]], axis=1)

    @pl.when(p == 0)
    def _accum():
        s_acc[...] += jnp.sum(agg, axis=0, keepdims=True)
        q_acc[...] += jnp.sum(agg * agg, axis=0, keepdims=True)

    @pl.when((p == 0) & (b == NB - 1))
    def _finish():
        mu = s_acc[...] / N
        var = q_acc[...] / N - mu * mu
        istd = lax.rsqrt(var + EPS)
        sc_ref[...] = gh_ref[...] * istd
        sh_ref[...] = bh_ref[...] - mu * gh_ref[...] * istd

    @pl.when(p == 1)
    def _write():
        out_ref[...] = h_ref[...] + jnp.maximum(agg * sc_ref[...] + sh_ref[...],
                                                0.0)


def _bn2_residual(aggl, aggr, h, ghr, bhr):
    return pl.pallas_call(
        _bn2_body,
        grid=(2, NB),
        in_specs=[
            pl.BlockSpec((BLK, HALF), lambda p, b: (b, 0)),
            pl.BlockSpec((BLK, HALF), lambda p, b: (b, 0)),
            pl.BlockSpec((BLK, IND), lambda p, b: (b, 0)),
            pl.BlockSpec((1, IND), lambda p, b: (0, 0)),
            pl.BlockSpec((1, IND), lambda p, b: (0, 0)),
        ],
        out_specs=pl.BlockSpec((BLK, IND), lambda p, b: (b, 0)),
        out_shape=jax.ShapeDtypeStruct((N, IND), jnp.float32),
        scratch_shapes=[
            pltpu.VMEM((1, IND), jnp.float32),
            pltpu.VMEM((1, IND), jnp.float32),
            pltpu.VMEM((1, IND), jnp.float32),
            pltpu.VMEM((1, IND), jnp.float32),
        ],
    )(aggl, aggr, h, ghr, bhr)


def kernel(h, e, edge_index, W1, g1, b1, W2, gh, bh):
    src = edge_index[0]
    dst = edge_index[1]
    pad = E_PAD - E
    src_p = jnp.concatenate([src, jnp.zeros((pad,), jnp.int32)])
    src_p = src_p.reshape(N_TILES, NCH, CHUNK)
    dst_p = jnp.concatenate([dst, jnp.full((pad,), N, jnp.int32)])
    dst_p = dst_p.reshape(N_TILES, NCH, CHUNK)
    zeros_blk = jnp.zeros((RPT_ZERO, HALF), jnp.float32)

    g1r = g1.reshape(H, 1, HID)
    b1r = b1.reshape(H, 1, HID)
    ghr = gh.reshape(1, H * OUT)
    bhr = bh.reshape(1, H * OUT)

    a1, c1 = _bn1_stats(h, W1, g1r, b1r)
    zl, zr = _transform(h.astype(jnp.bfloat16), W1.astype(jnp.bfloat16),
                        a1, c1, W2.astype(jnp.bfloat16))
    aggl, aggr = _segment_sum_sc(zl, zr, src_p, dst_p, zeros_blk)
    out = _bn2_residual(aggl, aggr, h, ghr, bhr)
    return (out, e)

# --- scband reference (transcript-rebuilt; emitter-appended) ---
"""Pipeline reference for scband-gatlayer-isotropic-11914239279937 (READ-ONLY COPY).

The authoritative reference and input builder live on the scoring server;
editing this copy changes nothing except your own understanding.
"""

import jax, jax.numpy as jnp
import numpy as np

N = 10000
E = 160000
IND = 256
HID = 512
OUT = 64
H = 4
D_EDGE = 16


def setup_inputs(seed: int = 0) -> dict:
    key = jax.random.key(seed)
    ks = jax.random.split(key, 6)
    h = jax.random.normal(ks[0], (N, IND), dtype=jnp.float32)
    e = jax.random.normal(ks[1], (E, D_EDGE), dtype=jnp.float32)
    edge_index = jax.random.randint(ks[2], (2, E), 0, N).astype(jnp.int32)
    # per-head MLP params (MultiLinearLayer with n_mlp_layer=2, bias=False):
    # Linear(IND->HID) -> BatchNorm(HID) -> ReLU -> Linear(HID->OUT)
    W1 = jax.random.normal(ks[3], (H, IND, HID), dtype=jnp.float32) * (1.0 / np.sqrt(IND))
    g1 = jnp.ones((H, HID), dtype=jnp.float32)
    b1 = jnp.zeros((H, HID), dtype=jnp.float32)
    W2 = jax.random.normal(ks[4], (H, HID, OUT), dtype=jnp.float32) * (1.0 / np.sqrt(HID))
    # per-head output BatchNorm1d(OUT) params
    gh = jnp.ones((H, OUT), dtype=jnp.float32)
    bh = jnp.zeros((H, OUT), dtype=jnp.float32)
    return {"h": h, "e": e, "edge_index": edge_index,
            "W1": W1, "g1": g1, "b1": b1, "W2": W2, "gh": gh, "bh": bh}


def _bn(x, gamma, beta, eps=1e-5):
    # training-mode BatchNorm1d over the node/batch axis
    mu = jnp.mean(x, axis=0)
    var = jnp.var(x, axis=0)
    return (x - mu) / jnp.sqrt(var + eps) * gamma + beta


def reference(h, e, edge_index, W1, g1, b1, W2, gh, bh):
    src = edge_index[0]
    dst = edge_index[1]
    head_outs = []
    for i in range(H):
        # MultiLinearLayer (2 layers, bias=False, batch_norm=True, relu)
        z = h @ W1[i]
        z = jax.nn.relu(_bn(z, g1[i], b1[i]))
        z = z @ W2[i]
        # message passing: copy src -> sum-reduce at dst
        agg = jax.ops.segment_sum(z[src], dst, num_segments=N)
        # batchnorm_h + activation (dropout p=0.0 is identity)
        agg = jax.nn.relu(_bn(agg, gh[i], bh[i]))
        head_outs.append(agg)
    out = jnp.concatenate(head_outs, axis=1)
    # residual: indim == outdim * num_heads (256 == 64*4)
    out = h + out
    return (out, e)

if __name__ == "__main__":
    import jax
    _d = setup_inputs()
    print(jax.jit(kernel)(*tuple(_d.values())))

</pallas_src>

<mosaic_0001>
#map = affine_map<(d0, d1) -> (0, 0)>
#map1 = affine_map<(d0, d1) -> (0, 0, 0)>
module attributes {stable_mosaic.version = 14 : i64} {
  func.func @_seg_body(%arg0: i32, %arg1: i32, %arg2: memref<10000x128xf32, #tpu.memory_space<hbm>>, %arg3: memref<10000x128xf32, #tpu.memory_space<hbm>>, %arg4: memref<16x80x128xi32, #tpu.memory_space<hbm>>, %arg5: memref<16x80x128xi32, #tpu.memory_space<hbm>>, %arg6: memref<640x128xf32, #tpu.memory_space<hbm>>, %arg7: memref<10000x128xf32, #tpu.memory_space<hbm>>, %arg8: memref<10000x128xf32, #tpu.memory_space<hbm>>, %arg9: memref<16x128xi32, #tpu.memory_space<vmem>>, %arg10: memref<16x128xi32, #tpu.memory_space<vmem>>, %arg11: memref<128x128xf32, #tpu.memory_space<vmem>>, %arg12: memref<128x128xf32, #tpu.memory_space<vmem>>, %arg13: memref<10240x128xf32, #tpu.memory_space<vmem_shared>>, %arg14: memref<!tpu.dma_semaphore, #tpu.memory_space<semaphore_mem>>, %arg15: memref<!tpu.dma_semaphore, #tpu.memory_space<semaphore_mem>>) attributes {dimension_semantics = [#tpu.dimension_semantics<core_parallel>, #tpu.dimension_semantics<subcore_parallel>], iteration_bounds = array<i64: 2, 16>, scalar_prefetch = 0 : i64, scratch_operands = 7 : i64, tpu.core_type = #tpu.core_type<sc_vector_subcore>, window_params = [{transform_indices = #map}, {transform_indices = #map}, {transform_indices = #map1}, {transform_indices = #map1}, {transform_indices = #map}, {transform_indices = #map}, {transform_indices = #map}]} {
    %mul3A = arith.constant 640 : i32
    %mul3A_0 = arith.muli %arg1, %mul3A : i32
    "tpu.region"() ({
      %run_scoped3A = tpu.sem_alloc : memref<!tpu.dma_semaphore, #tpu.memory_space<semaphore_mem>>
      %dma_start3A = arith.constant 0 : i32
      %dma_start3A_8 = tpu.memref_slice %arg13[%mul3A_0, %dma_start3A] : memref<10240x128xf32, #tpu.memory_space<vmem_shared>> -> memref<640x128xf32, #tpu.memory_space<vmem_shared>>
      tpu.enqueue_dma source(%arg6 : memref<640x128xf32, #tpu.memory_space<hbm>>) target(%dma_start3A_8 : memref<640x128xf32, #tpu.memory_space<vmem_shared>>) target_semaphore(%run_scoped3A : memref<!tpu.dma_semaphore, #tpu.memory_space<semaphore_mem>>)
      %dma_wait3A = arith.constant 0 : i32
      %dma_wait3A_9 = tpu.memref_slice %arg13[%mul3A_0, %dma_wait3A] : memref<10240x128xf32, #tpu.memory_space<vmem_shared>> -> memref<640x128xf32, #tpu.memory_space<vmem_shared>>
      tpu.wait_dma2 semaphore(%run_scoped3A : memref<!tpu.dma_semaphore, #tpu.memory_space<semaphore_mem>>) src(%arg6 : memref<640x128xf32, #tpu.memory_space<hbm>>) dst(%dma_wait3A_9 : memref<640x128xf32, #tpu.memory_space<vmem_shared>>)
      tpu.yield
    }) : () -> ()
    %barrier3A = arith.constant 0 : index
    tpu.barrier barrier_id(%barrier3A)
    %eq3A = arith.constant 0 : i32
    %eq3A_1 = arith.cmpi eq, %arg0, %eq3A : i32
    %convert_element_type3A = arith.extui %eq3A_1 : i1 to i32
    %cond3A = arith.constant 0 : i32
    %cond3A_2 = arith.cmpi ne, %convert_element_type3A, %cond3A : i32
    scf.if %cond3A_2 {
      %scan3A = arith.constant 0 : i32
      %scan3A_8 = arith.constant 0 : i32
      %scan3A_9 = arith.constant 5 : i32
      %scan3A_10 = arith.addi %scan3A_8, %scan3A_9 : i32
      %scan3A_11 = arith.constant 1 : i32
      scf.for %scan3A_23 = %scan3A_8 to %scan3A_10 step %scan3A_11  : i32 {
        %mul3A_24 = arith.constant 16 : i32
        %mul3A_25 = arith.muli %scan3A_23, %mul3A_24 : i32
        "tpu.region"() ({
          %run_scoped3A = tpu.sem_alloc : memref<!tpu.dma_semaphore, #tpu.memory_space<semaphore_mem>>
          %dma_start3A_40 = arith.constant 0 : i32
          %dma_start3A_41 = tpu.memref_slice %arg4[%arg1, %mul3A_25, %dma_start3A_40] : memref<16x80x128xi32, #tpu.memory_space<hbm>> -> memref<1x16x128xi32, #tpu.memory_space<hbm>>
          %dma_start3A_42 = tpu.memref_squeeze %dma_start3A_41 : memref<1x16x128xi32, #tpu.memory_space<hbm>> -> memref<16x128xi32, #tpu.memory_space<hbm>>
          %dma_start3A_43 = arith.constant 0 : i32
          %dma_start3A_44 = tpu.memref_slice %arg4[%arg1, %mul3A_25, %dma_start3A_43] : memref<16x80x128xi32, #tpu.memory_space<hbm>> -> memref<1x16x128xi32, #tpu.memory_space<hbm>>
          %dma_start3A_45 = tpu.memref_squeeze %dma_start3A_44 : memref<1x16x128xi32, #tpu.memory_space<hbm>> -> memref<16x128xi32, #tpu.memory_space<hbm>>
          tpu.enqueue_dma source(%dma_start3A_45 : memref<16x128xi32, #tpu.memory_space<hbm>>) target(%arg9 : memref<16x128xi32, #tpu.memory_space<vmem>>) target_semaphore(%run_scoped3A : memref<!tpu.dma_semaphore, #tpu.memory_space<semaphore_mem>>)
          %dma_wait3A = arith.constant 0 : i32
          %dma_wait3A_46 = tpu.memref_slice %arg4[%arg1, %mul3A_25, %dma_wait3A] : memref<16x80x128xi32, #tpu.memory_space<hbm>> -> memref<1x16x128xi32, #tpu.memory_space<hbm>>
          %dma_wait3A_47 = tpu.memref_squeeze %dma_wait3A_46 : memref<1x16x128xi32, #tpu.memory_space<hbm>> -> memref<16x128xi32, #tpu.memory_space<hbm>>
          %dma_wait3A_48 = arith.constant 0 : i32
          %dma_wait3A_49 = tpu.memref_slice %arg4[%arg1, %mul3A_25, %dma_wait3A_48] : memref<16x80x128xi32, #tpu.memory_space<hbm>> -> memref<1x16x128xi32, #tpu.memory_space<hbm>>
          %dma_wait3A_50 = tpu.memref_squeeze %dma_wait3A_49 : memref<1x16x128xi32, #tpu.memory_space<hbm>> -> memref<16x128xi32, #tpu.memory_space<hbm>>
          tpu.wait_dma2 semaphore(%run_scoped3A : memref<!tpu.dma_semaphore, #tpu.memory_space<semaphore_mem>>) src(%dma_wait3A_50 : memref<16x128xi32, #tpu.memory_space<hbm>>) dst(%arg9 : memref<16x128xi32, #tpu.memory_space<vmem>>)
          tpu.yield
        }) : () -> ()
        %mul3A_26 = arith.constant 16 : i32
        %mul3A_27 = arith.muli %scan3A_23, %mul3A_26 : i32
        "tpu.region"() ({
          %run_scoped3A = tpu.sem_alloc : memref<!tpu.dma_semaphore, #tpu.memory_space<semaphore_mem>>
          %dma_start3A_40 = arith.constant 0 : i32
          %dma_start3A_41 = tpu.memref_slice %arg5[%arg1, %mul3A_27, %dma_start3A_40] : memref<16x80x128xi32, #tpu.memory_space<hbm>> -> memref<1x16x128xi32, #tpu.memory_space<hbm>>
          %dma_start3A_42 = tpu.memref_squeeze %dma_start3A_41 : memref<1x16x128xi32, #tpu.memory_space<hbm>> -> memref<16x128xi32, #tpu.memory_space<hbm>>
          %dma_start3A_43 = arith.constant 0 : i32
          %dma_start3A_44 = tpu.memref_slice %arg5[%arg1, %mul3A_27, %dma_start3A_43] : memref<16x80x128xi32, #tpu.memory_space<hbm>> -> memref<1x16x128xi32, #tpu.memory_space<hbm>>
          %dma_start3A_45 = tpu.memref_squeeze %dma_start3A_44 : memref<1x16x128xi32, #tpu.memory_space<hbm>> -> memref<16x128xi32, #tpu.memory_space<hbm>>
          tpu.enqueue_dma source(%dma_start3A_45 : memref<16x128xi32, #tpu.memory_space<hbm>>) target(%arg10 : memref<16x128xi32, #tpu.memory_space<vmem>>) target_semaphore(%run_scoped3A : memref<!tpu.dma_semaphore, #tpu.memory_space<semaphore_mem>>)
          %dma_wait3A = arith.constant 0 : i32
          %dma_wait3A_46 = tpu.memref_slice %arg5[%arg1, %mul3A_27, %dma_wait3A] : memref<16x80x128xi32, #tpu.memory_space<hbm>> -> memref<1x16x128xi32, #tpu.memory_space<hbm>>
          %dma_wait3A_47 = tpu.memref_squeeze %dma_wait3A_46 : memref<1x16x128xi32, #tpu.memory_space<hbm>> -> memref<16x128xi32, #tpu.memory_space<hbm>>
          %dma_wait3A_48 = arith.constant 0 : i32
          %dma_wait3A_49 = tpu.memref_slice %arg5[%arg1, %mul3A_27, %dma_wait3A_48] : memref<16x80x128xi32, #tpu.memory_space<hbm>> -> memref<1x16x128xi32, #tpu.memory_space<hbm>>
          %dma_wait3A_50 = tpu.memref_squeeze %dma_wait3A_49 : memref<1x16x128xi32, #tpu.memory_space<hbm>> -> memref<16x128xi32, #tpu.memory_space<hbm>>
          tpu.wait_dma2 semaphore(%run_scoped3A : memref<!tpu.dma_semaphore, #tpu.memory_space<semaphore_mem>>) src(%dma_wait3A_50 : memref<16x128xi32, #tpu.memory_space<hbm>>) dst(%arg10 : memref<16x128xi32, #tpu.memory_space<vmem>>)
          tpu.yield
        }) : () -> ()
        %dma_start3A = arith.constant 0 : i32
        %dma_start3A_28 = arith.constant 0 : i32
        %dma_start3A_29 = tpu.memref_slice %arg9[%dma_start3A, %dma_start3A_28] : memref<16x128xi32, #tpu.memory_space<vmem>> -> memref<1x128xi32, #tpu.memory_space<vmem>>
        %dma_start3A_30 = tpu.memref_squeeze %dma_start3A_29 : memref<1x128xi32, #tpu.memory_space<vmem>> -> memref<128xi32, #tpu.memory_space<vmem>>
        %dma_start3A_31 = arith.constant 0 : i32
        %dma_start3A_32 = arith.constant 0 : i32
        %dma_start3A_33 = tpu.memref_slice %arg2[%dma_start3A_31, %dma_start3A_32] : memref<10000x128xf32, #tpu.memory_space<hbm>> -> memref<10000x128xf32, #tpu.memory_space<hbm>>
        tpu.enqueue_indirect_dma source(%dma_start3A_33 : memref<10000x128xf32, #tpu.memory_space<hbm>>) target(%arg11 : memref<128x128xf32, #tpu.memory_space<vmem>>) offsets(%dma_start3A_30 : memref<128xi32, #tpu.memory_space<vmem>>) semaphore(%arg14 : memref<!tpu.dma_semaphore, #tpu.memory_space<semaphore_mem>>)
        %scan3A_34 = arith.constant 0 : i32
        %scan3A_35 = arith.constant 0 : i32
        %scan3A_36 = arith.constant 8 : i32
        %scan3A_37 = arith.addi %scan3A_35, %scan3A_36 : i32
        %scan3A_38 = arith.constant 1 : i32
        scf.for %scan3A_40 = %scan3A_35 to %scan3A_37 step %scan3A_38  : i32 {
          %mul3A_41 = arith.constant 2 : i32
          %mul3A_42 = arith.muli %mul3A_41, %scan3A_40 : i32
          %dma_wait3A = arith.constant 0 : i32
          %dma_wait3A_43 = tpu.memref_slice %arg9[%mul3A_42, %dma_wait3A] : memref<16x128xi32, #tpu.memory_space<vmem>> -> memref<1x128xi32, #tpu.memory_space<vmem>>
          %dma_wait3A_44 = tpu.memref_squeeze %dma_wait3A_43 : memref<1x128xi32, #tpu.memory_space<vmem>> -> memref<128xi32, #tpu.memory_space<vmem>>
          %dma_wait3A_45 = arith.constant 0 : i32
          %dma_wait3A_46 = arith.constant 0 : i32
          %dma_wait3A_47 = tpu.memref_slice %arg2[%dma_wait3A_45, %dma_wait3A_46] : memref<10000x128xf32, #tpu.memory_space<hbm>> -> memref<10000x128xf32, #tpu.memory_space<hbm>>
          tpu.wait_indirect_dma semaphore(%arg14 : memref<!tpu.dma_semaphore, #tpu.memory_space<semaphore_mem>>) src(%dma_wait3A_47 : memref<10000x128xf32, #tpu.memory_space<hbm>>) dst(%arg11 : memref<128x128xf32, #tpu.memory_space<vmem>>)
          %add3A = arith.constant 1 : i32
          %add3A_48 = arith.addi %mul3A_42, %add3A : i32
          %dma_start3A_49 = arith.constant 0 : i32
          %dma_start3A_50 = tpu.memref_slice %arg9[%add3A_48, %dma_start3A_49] : memref<16x128xi32, #tpu.memory_space<vmem>> -> memref<1x128xi32, #tpu.memory_space<vmem>>
          %dma_start3A_51 = tpu.memref_squeeze %dma_start3A_50 : memref<1x128xi32, #tpu.memory_space<vmem>> -> memref<128xi32, #tpu.memory_space<vmem>>
          %dma_start3A_52 = arith.constant 0 : i32
          %dma_start3A_53 = arith.constant 0 : i32
          %dma_start3A_54 = tpu.memref_slice %arg2[%dma_start3A_52, %dma_start3A_53] : memref<10000x128xf32, #tpu.memory_space<hbm>> -> memref<10000x128xf32, #tpu.memory_space<hbm>>
          tpu.enqueue_indirect_dma source(%dma_start3A_54 : memref<10000x128xf32, #tpu.memory_space<hbm>>) target(%arg12 : memref<128x128xf32, #tpu.memory_space<vmem>>) offsets(%dma_start3A_51 : memref<128xi32, #tpu.memory_space<vmem>>) semaphore(%arg15 : memref<!tpu.dma_semaphore, #tpu.memory_space<semaphore_mem>>)
          "tpu.region"() ({
            %run_scoped3A = tpu.sem_alloc : memref<!tpu.dma_semaphore, #tpu.memory_space<semaphore_mem>>
            %dma_start3A_70 = arith.constant 0 : i32
            %dma_start3A_71 = tpu.memref_slice %arg10[%mul3A_42, %dma_start3A_70] : memref<16x128xi32, #tpu.memory_space<vmem>> -> memref<1x128xi32, #tpu.memory_space<vmem>>
            %dma_start3A_72 = tpu.memref_squeeze %dma_start3A_71 : memref<1x128xi32, #tpu.memory_space<vmem>> -> memref<128xi32, #tpu.memory_space<vmem>>
            %dma_start3A_73 = arith.constant 0 : i32
            %dma_start3A_74 = arith.constant 0 : i32
            %dma_start3A_75 = tpu.memref_slice %arg13[%dma_start3A_73, %dma_start3A_74] : memref<10240x128xf32, #tpu.memory_space<vmem_shared>> -> memref<10240x128xf32, #tpu.memory_space<vmem_shared>>
            tpu.enqueue_indirect_dma source(%arg11 : memref<128x128xf32, #tpu.memory_space<vmem>>) target(%dma_start3A_75 : memref<10240x128xf32, #tpu.memory_space<vmem_shared>>) offsets(%dma_start3A_72 : memref<128xi32, #tpu.memory_space<vmem>>) semaphore(%run_scoped3A : memref<!tpu.dma_semaphore, #tpu.memory_space<semaphore_mem>>) {add = true}
            %dma_wait3A_76 = arith.constant 0 : i32
            %dma_wait3A_77 = tpu.memref_slice %arg10[%mul3A_42, %dma_wait3A_76] : memref<16x128xi32, #tpu.memory_space<vmem>> -> memref<1x128xi32, #tpu.memory_space<vmem>>
            %dma_wait3A_78 = tpu.memref_squeeze %dma_wait3A_77 : memref<1x128xi32, #tpu.memory_space<vmem>> -> memref<128xi32, #tpu.memory_space<vmem>>
            %dma_wait3A_79 = arith.constant 0 : i32
            %dma_wait3A_80 = arith.constant 0 : i32
            %dma_wait3A_81 = tpu.memref_slice %arg13[%dma_wait3A_79, %dma_wait3A_80] : memref<10240x128xf32, #tpu.memory_space<vmem_shared>> -> memref<10240x128xf32, #tpu.memory_space<vmem_shared>>
            tpu.wait_indirect_dma semaphore(%run_scoped3A : memref<!tpu.dma_semaphore, #tpu.memory_space<semaphore_mem>>) src(%arg11 : memref<128x128xf32, #tpu.memory_space<vmem>>) dst(%dma_wait3A_81 : memref<10240x128xf32, #tpu.memory_space<vmem_shared>>)
            tpu.yield
          }) : () -> ()
          %add3A_55 = arith.constant 1 : i32
          %add3A_56 = arith.addi %mul3A_42, %add3A_55 : i32
          %dma_wait3A_57 = arith.constant 0 : i32
          %dma_wait3A_58 = tpu.memref_slice %arg9[%add3A_56, %dma_wait3A_57] : memref<16x128xi32, #tpu.memory_space<vmem>> -> memref<1x128xi32, #tpu.memory_space<vmem>>
          %dma_wait3A_59 = tpu.memref_squeeze %dma_wait3A_58 : memref<1x128xi32, #tpu.memory_space<vmem>> -> memref<128xi32, #tpu.memory_space<vmem>>
          %dma_wait3A_60 = arith.constant 0 : i32
          %dma_wait3A_61 = arith.constant 0 : i32
          %dma_wait3A_62 = tpu.memref_slice %arg2[%dma_wait3A_60, %dma_wait3A_61] : memref<10000x128xf32, #tpu.memory_space<hbm>> -> memref<10000x128xf32, #tpu.memory_space<hbm>>
          tpu.wait_indirect_dma semaphore(%arg15 : memref<!tpu.dma_semaphore, #tpu.memory_space<semaphore_mem>>) src(%dma_wait3A_62 : memref<10000x128xf32, #tpu.memory_space<hbm>>) dst(%arg12 : memref<128x128xf32, #tpu.memory_space<vmem>>)
          %lt3A_63 = arith.constant 7 : i32
          %lt3A_64 = arith.cmpi slt, %scan3A_40, %lt3A_63 : i32
          %convert_element_type3A_65 = arith.extui %lt3A_64 : i1 to i32
          %cond3A_66 = arith.constant 0 : i32
          %cond3A_67 = arith.cmpi ne, %convert_element_type3A_65, %cond3A_66 : i32
          scf.if %cond3A_67 {
            %add3A_70 = arith.constant 2 : i32
            %add3A_71 = arith.addi %mul3A_42, %add3A_70 : i32
            %dma_start3A_72 = arith.constant 0 : i32
            %dma_start3A_73 = tpu.memref_slice %arg9[%add3A_71, %dma_start3A_72] : memref<16x128xi32, #tpu.memory_space<vmem>> -> memref<1x128xi32, #tpu.memory_space<vmem>>
            %dma_start3A_74 = tpu.memref_squeeze %dma_start3A_73 : memref<1x128xi32, #tpu.memory_space<vmem>> -> memref<128xi32, #tpu.memory_space<vmem>>
            %dma_start3A_75 = arith.constant 0 : i32
            %dma_start3A_76 = arith.constant 0 : i32
            %dma_start3A_77 = tpu.memref_slice %arg2[%dma_start3A_75, %dma_start3A_76] : memref<10000x128xf32, #tpu.memory_space<hbm>> -> memref<10000x128xf32, #tpu.memory_space<hbm>>
            tpu.enqueue_indirect_dma source(%dma_start3A_77 : memref<10000x128xf32, #tpu.memory_space<hbm>>) target(%arg11 : memref<128x128xf32, #tpu.memory_space<vmem>>) offsets(%dma_start3A_74 : memref<128xi32, #tpu.memory_space<vmem>>) semaphore(%arg14 : memref<!tpu.dma_semaphore, #tpu.memory_space<semaphore_mem>>)
          } else {
          }
          %add3A_68 = arith.constant 1 : i32
          %add3A_69 = arith.addi %mul3A_42, %add3A_68 : i32
          "tpu.region"() ({
            %run_scoped3A = tpu.sem_alloc : memref<!tpu.dma_semaphore, #tpu.memory_space<semaphore_mem>>
            %dma_start3A_70 = arith.constant 0 : i32
            %dma_start3A_71 = tpu.memref_slice %arg10[%add3A_69, %dma_start3A_70] : memref<16x128xi32, #tpu.memory_space<vmem>> -> memref<1x128xi32, #tpu.memory_space<vmem>>
            %dma_start3A_72 = tpu.memref_squeeze %dma_start3A_71 : memref<1x128xi32, #tpu.memory_space<vmem>> -> memref<128xi32, #tpu.memory_space<vmem>>
            %dma_start3A_73 = arith.constant 0 : i32
            %dma_start3A_74 = arith.constant 0 : i32
            %dma_start3A_75 = tpu.memref_slice %arg13[%dma_start3A_73, %dma_start3A_74] : memref<10240x128xf32, #tpu.memory_space<vmem_shared>> -> memref<10240x128xf32, #tpu.memory_space<vmem_shared>>
            tpu.enqueue_indirect_dma source(%arg12 : memref<128x128xf32, #tpu.memory_space<vmem>>) target(%dma_start3A_75 : memref<10240x128xf32, #tpu.memory_space<vmem_shared>>) offsets(%dma_start3A_72 : memref<128xi32, #tpu.memory_space<vmem>>) semaphore(%run_scoped3A : memref<!tpu.dma_semaphore, #tpu.memory_space<semaphore_mem>>) {add = true}
            %dma_wait3A_76 = arith.constant 0 : i32
            %dma_wait3A_77 = tpu.memref_slice %arg10[%add3A_69, %dma_wait3A_76] : memref<16x128xi32, #tpu.memory_space<vmem>> -> memref<1x128xi32, #tpu.memory_space<vmem>>
            %dma_wait3A_78 = tpu.memref_squeeze %dma_wait3A_77 : memref<1x128xi32, #tpu.memory_space<vmem>> -> memref<128xi32, #tpu.memory_space<vmem>>
            %dma_wait3A_79 = arith.constant 0 : i32
            %dma_wait3A_80 = arith.constant 0 : i32
            %dma_wait3A_81 = tpu.memref_slice %arg13[%dma_wait3A_79, %dma_wait3A_80] : memref<10240x128xf32, #tpu.memory_space<vmem_shared>> -> memref<10240x128xf32, #tpu.memory_space<vmem_shared>>
            tpu.wait_indirect_dma semaphore(%run_scoped3A : memref<!tpu.dma_semaphore, #tpu.memory_space<semaphore_mem>>) src(%arg12 : memref<128x128xf32, #tpu.memory_space<vmem>>) dst(%dma_wait3A_81 : memref<10240x128xf32, #tpu.memory_space<vmem_shared>>)
            tpu.yield
          }) : () -> ()
        }
        %scan3A_39 = arith.constant 8 : i32
      }
      %scan3A_12 = arith.constant 5 : i32
      %barrier3A_13 = arith.constant 0 : index
      tpu.barrier barrier_id(%barrier3A_13)
      %lt3A = arith.constant 15 : i32
      %lt3A_14 = arith.cmpi slt, %arg1, %lt3A : i32
      %convert_element_type3A_15 = arith.extui %lt3A_14 : i1 to i32
      %cond3A_16 = arith.constant 0 : i32
      %cond3A_17 = arith.cmpi ne, %convert_element_type3A_15, %cond3A_16 : i32
      scf.if %cond3A_17 {
        %mul3A_23 = arith.constant 632 : i32
        %mul3A_24 = arith.muli %arg1, %mul3A_23 : i32
        %mul3A_25 = arith.constant 632 : i32
        %mul3A_26 = arith.muli %arg1, %mul3A_25 : i32
        "tpu.region"() ({
          %run_scoped3A = tpu.sem_alloc : memref<!tpu.dma_semaphore, #tpu.memory_space<semaphore_mem>>
          %dma_start3A = arith.constant 0 : i32
          %dma_start3A_27 = tpu.memref_slice %arg7[%mul3A_26, %dma_start3A] : memref<10000x128xf32, #tpu.memory_space<hbm>> -> memref<632x128xf32, #tpu.memory_space<hbm>>
          %dma_start3A_28 = arith.constant 0 : i32
          %dma_start3A_29 = tpu.memref_slice %arg13[%mul3A_24, %dma_start3A_28] : memref<10240x128xf32, #tpu.memory_space<vmem_shared>> -> memref<632x128xf32, #tpu.memory_space<vmem_shared>>
          tpu.enqueue_dma source(%dma_start3A_29 : memref<632x128xf32, #tpu.memory_space<vmem_shared>>) target(%dma_start3A_27 : memref<632x128xf32, #tpu.memory_space<hbm>>) target_semaphore(%run_scoped3A : memref<!tpu.dma_semaphore, #tpu.memory_space<semaphore_mem>>)
          %dma_wait3A = arith.constant 0 : i32
          %dma_wait3A_30 = tpu.memref_slice %arg7[%mul3A_26, %dma_wait3A] : memref<10000x128xf32, #tpu.memory_space<hbm>> -> memref<632x128xf32, #tpu.memory_space<hbm>>
          %dma_wait3A_31 = arith.constant 0 : i32
          %dma_wait3A_32 = tpu.memref_slice %arg13[%mul3A_24, %dma_wait3A_31] : memref<10240x128xf32, #tpu.memory_space<vmem_shared>> -> memref<632x128xf32, #tpu.memory_space<vmem_shared>>
          tpu.wait_dma2 semaphore(%run_scoped3A : memref<!tpu.dma_semaphore, #tpu.memory_space<semaphore_mem>>) src(%dma_wait3A_32 : memref<632x128xf32, #tpu.memory_space<vmem_shared>>) dst(%dma_wait3A_30 : memref<632x128xf32, #tpu.memory_space<hbm>>)
          tpu.yield
        }) : () -> ()
      } else {
      }
      %eq3A_18 = arith.constant 15 : i32
      %eq3A_19 = arith.cmpi eq, %arg1, %eq3A_18 : i32
      %convert_element_type3A_20 = arith.extui %eq3A_19 : i1 to i32
      %cond3A_21 = arith.constant 0 : i32
      %cond3A_22 = arith.cmpi ne, %convert_element_type3A_20, %cond3A_21 : i32
      scf.if %cond3A_22 {
        "tpu.region"() ({
          %run_scoped3A = tpu.sem_alloc : memref<!tpu.dma_semaphore, #tpu.memory_space<semaphore_mem>>
          %dma_start3A = arith.constant 9480 : i32
          %dma_start3A_23 = arith.constant 0 : i32
          %dma_start3A_24 = tpu.memref_slice %arg7[%dma_start3A, %dma_start3A_23] : memref<10000x128xf32, #tpu.memory_space<hbm>> -> memref<520x128xf32, #tpu.memory_space<hbm>>
          %dma_start3A_25 = arith.constant 9480 : i32
          %dma_start3A_26 = arith.constant 0 : i32
          %dma_start3A_27 = tpu.memref_slice %arg13[%dma_start3A_25, %dma_start3A_26] : memref<10240x128xf32, #tpu.memory_space<vmem_shared>> -> memref<520x128xf32, #tpu.memory_space<vmem_shared>>
          tpu.enqueue_dma source(%dma_start3A_27 : memref<520x128xf32, #tpu.memory_space<vmem_shared>>) target(%dma_start3A_24 : memref<520x128xf32, #tpu.memory_space<hbm>>) target_semaphore(%run_scoped3A : memref<!tpu.dma_semaphore, #tpu.memory_space<semaphore_mem>>)
          %dma_wait3A = arith.constant 9480 : i32
          %dma_wait3A_28 = arith.constant 0 : i32
          %dma_wait3A_29 = tpu.memref_slice %arg7[%dma_wait3A, %dma_wait3A_28] : memref<10000x128xf32, #tpu.memory_space<hbm>> -> memref<520x128xf32, #tpu.memory_space<hbm>>
          %dma_wait3A_30 = arith.constant 9480 : i32
          %dma_wait3A_31 = arith.constant 0 : i32
          %dma_wait3A_32 = tpu.memref_slice %arg13[%dma_wait3A_30, %dma_wait3A_31] : memref<10240x128xf32, #tpu.memory_space<vmem_shared>> -> memref<520x128xf32, #tpu.memory_space<vmem_shared>>
          tpu.wait_dma2 semaphore(%run_scoped3A : memref<!tpu.dma_semaphore, #tpu.memory_space<semaphore_mem>>) src(%dma_wait3A_32 : memref<520x128xf32, #tpu.memory_space<vmem_shared>>) dst(%dma_wait3A_29 : memref<520x128xf32, #tpu.memory_space<hbm>>)
          tpu.yield
        }) : () -> ()
      } else {
      }
    } else {
    }
    %eq3A_3 = arith.constant 1 : i32
    %eq3A_4 = arith.cmpi eq, %arg0, %eq3A_3 : i32
    %convert_element_type3A_5 = arith.extui %eq3A_4 : i1 to i32
    %cond3A_6 = arith.constant 0 : i32
    %cond3A_7 = arith.cmpi ne, %convert_element_type3A_5, %cond3A_6 : i32
    scf.if %cond3A_7 {
      %scan3A = arith.constant 0 : i32
      %scan3A_8 = arith.constant 0 : i32
      %scan3A_9 = arith.constant 5 : i32
      %scan3A_10 = arith.addi %scan3A_8, %scan3A_9 : i32
      %scan3A_11 = arith.constant 1 : i32
      scf.for %scan3A_23 = %scan3A_8 to %scan3A_10 step %scan3A_11  : i32 {
        %mul3A_24 = arith.constant 16 : i32
        %mul3A_25 = arith.muli %scan3A_23, %mul3A_24 : i32
        "tpu.region"() ({
          %run_scoped3A = tpu.sem_alloc : memref<!tpu.dma_semaphore, #tpu.memory_space<semaphore_mem>>
          %dma_start3A_40 = arith.constant 0 : i32
          %dma_start3A_41 = tpu.memref_slice %arg4[%arg1, %mul3A_25, %dma_start3A_40] : memref<16x80x128xi32, #tpu.memory_space<hbm>> -> memref<1x16x128xi32, #tpu.memory_space<hbm>>
          %dma_start3A_42 = tpu.memref_squeeze %dma_start3A_41 : memref<1x16x128xi32, #tpu.memory_space<hbm>> -> memref<16x128xi32, #tpu.memory_space<hbm>>
          %dma_start3A_43 = arith.constant 0 : i32
          %dma_start3A_44 = tpu.memref_slice %arg4[%arg1, %mul3A_25, %dma_start3A_43] : memref<16x80x128xi32, #tpu.memory_space<hbm>> -> memref<1x16x128xi32, #tpu.memory_space<hbm>>
          %dma_start3A_45 = tpu.memref_squeeze %dma_start3A_44 : memref<1x16x128xi32, #tpu.memory_space<hbm>> -> memref<16x128xi32, #tpu.memory_space<hbm>>
          tpu.enqueue_dma source(%dma_start3A_45 : memref<16x128xi32, #tpu.memory_space<hbm>>) target(%arg9 : memref<16x128xi32, #tpu.memory_space<vmem>>) target_semaphore(%run_scoped3A : memref<!tpu.dma_semaphore, #tpu.memory_space<semaphore_mem>>)
          %dma_wait3A = arith.constant 0 : i32
          %dma_wait3A_46 = tpu.memref_slice %arg4[%arg1, %mul3A_25, %dma_wait3A] : memref<16x80x128xi32, #tpu.memory_space<hbm>> -> memref<1x16x128xi32, #tpu.memory_space<hbm>>
          %dma_wait3A_47 = tpu.memref_squeeze %dma_wait3A_46 : memref<1x16x128xi32, #tpu.memory_space<hbm>> -> memref<16x128xi32, #tpu.memory_space<hbm>>
          %dma_wait3A_48 = arith.constant 0 : i32
          %dma_wait3A_49 = tpu.memref_slice %arg4[%arg1, %mul3A_25, %dma_wait3A_48] : memref<16x80x128xi32, #tpu.memory_space<hbm>> -> memref<1x16x128xi32, #tpu.memory_space<hbm>>
          %dma_wait3A_50 = tpu.memref_squeeze %dma_wait3A_49 : memref<1x16x128xi32, #tpu.memory_space<hbm>> -> memref<16x128xi32, #tpu.memory_space<hbm>>
          tpu.wait_dma2 semaphore(%run_scoped3A : memref<!tpu.dma_semaphore, #tpu.memory_space<semaphore_mem>>) src(%dma_wait3A_50 : memref<16x128xi32, #tpu.memory_space<hbm>>) dst(%arg9 : memref<16x128xi32, #tpu.memory_space<vmem>>)
          tpu.yield
        }) : () -> ()
        %mul3A_26 = arith.constant 16 : i32
        %mul3A_27 = arith.muli %scan3A_23, %mul3A_26 : i32
        "tpu.region"() ({
          %run_scoped3A = tpu.sem_alloc : memref<!tpu.dma_semaphore, #tpu.memory_space<semaphore_mem>>
          %dma_start3A_40 = arith.constant 0 : i32
          %dma_start3A_41 = tpu.memref_slice %arg5[%arg1, %mul3A_27, %dma_start3A_40] : memref<16x80x128xi32, #tpu.memory_space<hbm>> -> memref<1x16x128xi32, #tpu.memory_space<hbm>>
          %dma_start3A_42 = tpu.memref_squeeze %dma_start3A_41 : memref<1x16x128xi32, #tpu.memory_space<hbm>> -> memref<16x128xi32, #tpu.memory_space<hbm>>
          %dma_start3A_43 = arith.constant 0 : i32
          %dma_start3A_44 = tpu.memref_slice %arg5[%arg1, %mul3A_27, %dma_start3A_43] : memref<16x80x128xi32, #tpu.memory_space<hbm>> -> memref<1x16x128xi32, #tpu.memory_space<hbm>>
          %dma_start3A_45 = tpu.memref_squeeze %dma_start3A_44 : memref<1x16x128xi32, #tpu.memory_space<hbm>> -> memref<16x128xi32, #tpu.memory_space<hbm>>
          tpu.enqueue_dma source(%dma_start3A_45 : memref<16x128xi32, #tpu.memory_space<hbm>>) target(%arg10 : memref<16x128xi32, #tpu.memory_space<vmem>>) target_semaphore(%run_scoped3A : memref<!tpu.dma_semaphore, #tpu.memory_space<semaphore_mem>>)
          %dma_wait3A = arith.constant 0 : i32
          %dma_wait3A_46 = tpu.memref_slice %arg5[%arg1, %mul3A_27, %dma_wait3A] : memref<16x80x128xi32, #tpu.memory_space<hbm>> -> memref<1x16x128xi32, #tpu.memory_space<hbm>>
          %dma_wait3A_47 = tpu.memref_squeeze %dma_wait3A_46 : memref<1x16x128xi32, #tpu.memory_space<hbm>> -> memref<16x128xi32, #tpu.memory_space<hbm>>
          %dma_wait3A_48 = arith.constant 0 : i32
          %dma_wait3A_49 = tpu.memref_slice %arg5[%arg1, %mul3A_27, %dma_wait3A_48] : memref<16x80x128xi32, #tpu.memory_space<hbm>> -> memref<1x16x128xi32, #tpu.memory_space<hbm>>
          %dma_wait3A_50 = tpu.memref_squeeze %dma_wait3A_49 : memref<1x16x128xi32, #tpu.memory_space<hbm>> -> memref<16x128xi32, #tpu.memory_space<hbm>>
          tpu.wait_dma2 semaphore(%run_scoped3A : memref<!tpu.dma_semaphore, #tpu.memory_space<semaphore_mem>>) src(%dma_wait3A_50 : memref<16x128xi32, #tpu.memory_space<hbm>>) dst(%arg10 : memref<16x128xi32, #tpu.memory_space<vmem>>)
          tpu.yield
        }) : () -> ()
        %dma_start3A = arith.constant 0 : i32
        %dma_start3A_28 = arith.constant 0 : i32
        %dma_start3A_29 = tpu.memref_slice %arg9[%dma_start3A, %dma_start3A_28] : memref<16x128xi32, #tpu.memory_space<vmem>> -> memref<1x128xi32, #tpu.memory_space<vmem>>
        %dma_start3A_30 = tpu.memref_squeeze %dma_start3A_29 : memref<1x128xi32, #tpu.memory_space<vmem>> -> memref<128xi32, #tpu.memory_space<vmem>>
        %dma_start3A_31 = arith.constant 0 : i32
        %dma_start3A_32 = arith.constant 0 : i32
        %dma_start3A_33 = tpu.memref_slice %arg3[%dma_start3A_31, %dma_start3A_32] : memref<10000x128xf32, #tpu.memory_space<hbm>> -> memref<10000x128xf32, #tpu.memory_space<hbm>>
        tpu.enqueue_indirect_dma source(%dma_start3A_33 : memref<10000x128xf32, #tpu.memory_space<hbm>>) target(%arg11 : memref<128x128xf32, #tpu.memory_space<vmem>>) offsets(%dma_start3A_30 : memref<128xi32, #tpu.memory_space<vmem>>) semaphore(%arg14 : memref<!tpu.dma_semaphore, #tpu.memory_space<semaphore_mem>>)
        %scan3A_34 = arith.constant 0 : i32
        %scan3A_35 = arith.constant 0 : i32
        %scan3A_36 = arith.constant 8 : i32
        %scan3A_37 = arith.addi %scan3A_35, %scan3A_36 : i32
        %scan3A_38 = arith.constant 1 : i32
        scf.for %scan3A_40 = %scan3A_35 to %scan3A_37 step %scan3A_38  : i32 {
          %mul3A_41 = arith.constant 2 : i32
          %mul3A_42 = arith.muli %mul3A_41, %scan3A_40 : i32
          %dma_wait3A = arith.constant 0 : i32
          %dma_wait3A_43 = tpu.memref_slice %arg9[%mul3A_42, %dma_wait3A] : memref<16x128xi32, #tpu.memory_space<vmem>> -> memref<1x128xi32, #tpu.memory_space<vmem>>
          %dma_wait3A_44 = tpu.memref_squeeze %dma_wait3A_43 : memref<1x128xi32, #tpu.memory_space<vmem>> -> memref<128xi32, #tpu.memory_space<vmem>>
          %dma_wait3A_45 = arith.constant 0 : i32
          %dma_wait3A_46 = arith.constant 0 : i32
          %dma_wait3A_47 = tpu.memref_slice %arg3[%dma_wait3A_45, %dma_wait3A_46] : memref<10000x128xf32, #tpu.memory_space<hbm>> -> memref<10000x128xf32, #tpu.memory_space<hbm>>
          tpu.wait_indirect_dma semaphore(%arg14 : memref<!tpu.dma_semaphore, #tpu.memory_space<semaphore_mem>>) src(%dma_wait3A_47 : memref<10000x128xf32, #tpu.memory_space<hbm>>) dst(%arg11 : memref<128x128xf32, #tpu.memory_space<vmem>>)
          %add3A = arith.constant 1 : i32
          %add3A_48 = arith.addi %mul3A_42, %add3A : i32
          %dma_start3A_49 = arith.constant 0 : i32
          %dma_start3A_50 = tpu.memref_slice %arg9[%add3A_48, %dma_start3A_49] : memref<16x128xi32, #tpu.memory_space<vmem>> -> memref<1x128xi32, #tpu.memory_space<vmem>>
          %dma_start3A_51 = tpu.memref_squeeze %dma_start3A_50 : memref<1x128xi32, #tpu.memory_space<vmem>> -> memref<128xi32, #tpu.memory_space<vmem>>
          %dma_start3A_52 = arith.constant 0 : i32
          %dma_start3A_53 = arith.constant 0 : i32
          %dma_start3A_54 = tpu.memref_slice %arg3[%dma_start3A_52, %dma_start3A_53] : memref<10000x128xf32, #tpu.memory_space<hbm>> -> memref<10000x128xf32, #tpu.memory_space<hbm>>
          tpu.enqueue_indirect_dma source(%dma_start3A_54 : memref<10000x128xf32, #tpu.memory_space<hbm>>) target(%arg12 : memref<128x128xf32, #tpu.memory_space<vmem>>) offsets(%dma_start3A_51 : memref<128xi32, #tpu.memory_space<vmem>>) semaphore(%arg15 : memref<!tpu.dma_semaphore, #tpu.memory_space<semaphore_mem>>)
          "tpu.region"() ({
            %run_scoped3A = tpu.sem_alloc : memref<!tpu.dma_semaphore, #tpu.memory_space<semaphore_mem>>
            %dma_start3A_70 = arith.constant 0 : i32
            %dma_start3A_71 = tpu.memref_slice %arg10[%mul3A_42, %dma_start3A_70] : memref<16x128xi32, #tpu.memory_space<vmem>> -> memref<1x128xi32, #tpu.memory_space<vmem>>
            %dma_start3A_72 = tpu.memref_squeeze %dma_start3A_71 : memref<1x128xi32, #tpu.memory_space<vmem>> -> memref<128xi32, #tpu.memory_space<vmem>>
            %dma_start3A_73 = arith.constant 0 : i32
            %dma_start3A_74 = arith.constant 0 : i32
            %dma_start3A_75 = tpu.memref_slice %arg13[%dma_start3A_73, %dma_start3A_74] : memref<10240x128xf32, #tpu.memory_space<vmem_shared>> -> memref<10240x128xf32, #tpu.memory_space<vmem_shared>>
            tpu.enqueue_indirect_dma source(%arg11 : memref<128x128xf32, #tpu.memory_space<vmem>>) target(%dma_start3A_75 : memref<10240x128xf32, #tpu.memory_space<vmem_shared>>) offsets(%dma_start3A_72 : memref<128xi32, #tpu.memory_space<vmem>>) semaphore(%run_scoped3A : memref<!tpu.dma_semaphore, #tpu.memory_space<semaphore_mem>>) {add = true}
            %dma_wait3A_76 = arith.constant 0 : i32
            %dma_wait3A_77 = tpu.memref_slice %arg10[%mul3A_42, %dma_wait3A_76] : memref<16x128xi32, #tpu.memory_space<vmem>> -> memref<1x128xi32, #tpu.memory_space<vmem>>
            %dma_wait3A_78 = tpu.memref_squeeze %dma_wait3A_77 : memref<1x128xi32, #tpu.memory_space<vmem>> -> memref<128xi32, #tpu.memory_space<vmem>>
            %dma_wait3A_79 = arith.constant 0 : i32
            %dma_wait3A_80 = arith.constant 0 : i32
            %dma_wait3A_81 = tpu.memref_slice %arg13[%dma_wait3A_79, %dma_wait3A_80] : memref<10240x128xf32, #tpu.memory_space<vmem_shared>> -> memref<10240x128xf32, #tpu.memory_space<vmem_shared>>
            tpu.wait_indirect_dma semaphore(%run_scoped3A : memref<!tpu.dma_semaphore, #tpu.memory_space<semaphore_mem>>) src(%arg11 : memref<128x128xf32, #tpu.memory_space<vmem>>) dst(%dma_wait3A_81 : memref<10240x128xf32, #tpu.memory_space<vmem_shared>>)
            tpu.yield
          }) : () -> ()
          %add3A_55 = arith.constant 1 : i32
          %add3A_56 = arith.addi %mul3A_42, %add3A_55 : i32
          %dma_wait3A_57 = arith.constant 0 : i32
          %dma_wait3A_58 = tpu.memref_slice %arg9[%add3A_56, %dma_wait3A_57] : memref<16x128xi32, #tpu.memory_space<vmem>> -> memref<1x128xi32, #tpu.memory_space<vmem>>
          %dma_wait3A_59 = tpu.memref_squeeze %dma_wait3A_58 : memref<1x128xi32, #tpu.memory_space<vmem>> -> memref<128xi32, #tpu.memory_space<vmem>>
          %dma_wait3A_60 = arith.constant 0 : i32
          %dma_wait3A_61 = arith.constant 0 : i32
          %dma_wait3A_62 = tpu.memref_slice %arg3[%dma_wait3A_60, %dma_wait3A_61] : memref<10000x128xf32, #tpu.memory_space<hbm>> -> memref<10000x128xf32, #tpu.memory_space<hbm>>
          tpu.wait_indirect_dma semaphore(%arg15 : memref<!tpu.dma_semaphore, #tpu.memory_space<semaphore_mem>>) src(%dma_wait3A_62 : memref<10000x128xf32, #tpu.memory_space<hbm>>) dst(%arg12 : memref<128x128xf32, #tpu.memory_space<vmem>>)
          %lt3A_63 = arith.constant 7 : i32
          %lt3A_64 = arith.cmpi slt, %scan3A_40, %lt3A_63 : i32
          %convert_element_type3A_65 = arith.extui %lt3A_64 : i1 to i32
          %cond3A_66 = arith.constant 0 : i32
          %cond3A_67 = arith.cmpi ne, %convert_element_type3A_65, %cond3A_66 : i32
          scf.if %cond3A_67 {
            %add3A_70 = arith.constant 2 : i32
            %add3A_71 = arith.addi %mul3A_42, %add3A_70 : i32
            %dma_start3A_72 = arith.constant 0 : i32
            %dma_start3A_73 = tpu.memref_slice %arg9[%add3A_71, %dma_start3A_72] : memref<16x128xi32, #tpu.memory_space<vmem>> -> memref<1x128xi32, #tpu.memory_space<vmem>>
            %dma_start3A_74 = tpu.memref_squeeze %dma_start3A_73 : memref<1x128xi32, #tpu.memory_space<vmem>> -> memref<128xi32, #tpu.memory_space<vmem>>
            %dma_start3A_75 = arith.constant 0 : i32
            %dma_start3A_76 = arith.constant 0 : i32
            %dma_start3A_77 = tpu.memref_slice %arg3[%dma_start3A_75, %dma_start3A_76] : memref<10000x128xf32, #tpu.memory_space<hbm>> -> memref<10000x128xf32, #tpu.memory_space<hbm>>
            tpu.enqueue_indirect_dma source(%dma_start3A_77 : memref<10000x128xf32, #tpu.memory_space<hbm>>) target(%arg11 : memref<128x128xf32, #tpu.memory_space<vmem>>) offsets(%dma_start3A_74 : memref<128xi32, #tpu.memory_space<vmem>>) semaphore(%arg14 : memref<!tpu.dma_semaphore, #tpu.memory_space<semaphore_mem>>)
          } else {
          }
          %add3A_68 = arith.constant 1 : i32
          %add3A_69 = arith.addi %mul3A_42, %add3A_68 : i32
          "tpu.region"() ({
            %run_scoped3A = tpu.sem_alloc : memref<!tpu.dma_semaphore, #tpu.memory_space<semaphore_mem>>
            %dma_start3A_70 = arith.constant 0 : i32
            %dma_start3A_71 = tpu.memref_slice %arg10[%add3A_69, %dma_start3A_70] : memref<16x128xi32, #tpu.memory_space<vmem>> -> memref<1x128xi32, #tpu.memory_space<vmem>>
            %dma_start3A_72 = tpu.memref_squeeze %dma_start3A_71 : memref<1x128xi32, #tpu.memory_space<vmem>> -> memref<128xi32, #tpu.memory_space<vmem>>
            %dma_start3A_73 = arith.constant 0 : i32
            %dma_start3A_74 = arith.constant 0 : i32
            %dma_start3A_75 = tpu.memref_slice %arg13[%dma_start3A_73, %dma_start3A_74] : memref<10240x128xf32, #tpu.memory_space<vmem_shared>> -> memref<10240x128xf32, #tpu.memory_space<vmem_shared>>
            tpu.enqueue_indirect_dma source(%arg12 : memref<128x128xf32, #tpu.memory_space<vmem>>) target(%dma_start3A_75 : memref<10240x128xf32, #tpu.memory_space<vmem_shared>>) offsets(%dma_start3A_72 : memref<128xi32, #tpu.memory_space<vmem>>) semaphore(%run_scoped3A : memref<!tpu.dma_semaphore, #tpu.memory_space<semaphore_mem>>) {add = true}
            %dma_wait3A_76 = arith.constant 0 : i32
            %dma_wait3A_77 = tpu.memref_slice %arg10[%add3A_69, %dma_wait3A_76] : memref<16x128xi32, #tpu.memory_space<vmem>> -> memref<1x128xi32, #tpu.memory_space<vmem>>
            %dma_wait3A_78 = tpu.memref_squeeze %dma_wait3A_77 : memref<1x128xi32, #tpu.memory_space<vmem>> -> memref<128xi32, #tpu.memory_space<vmem>>
            %dma_wait3A_79 = arith.constant 0 : i32
            %dma_wait3A_80 = arith.constant 0 : i32
            %dma_wait3A_81 = tpu.memref_slice %arg13[%dma_wait3A_79, %dma_wait3A_80] : memref<10240x128xf32, #tpu.memory_space<vmem_shared>> -> memref<10240x128xf32, #tpu.memory_space<vmem_shared>>
            tpu.wait_indirect_dma semaphore(%run_scoped3A : memref<!tpu.dma_semaphore, #tpu.memory_space<semaphore_mem>>) src(%arg12 : memref<128x128xf32, #tpu.memory_space<vmem>>) dst(%dma_wait3A_81 : memref<10240x128xf32, #tpu.memory_space<vmem_shared>>)
            tpu.yield
          }) : () -> ()
        }
        %scan3A_39 = arith.constant 8 : i32
      }
      %scan3A_12 = arith.constant 5 : i32
      %barrier3A_13 = arith.constant 0 : index
      tpu.barrier barrier_id(%barrier3A_13)
      %lt3A = arith.constant 15 : i32
      %lt3A_14 = arith.cmpi slt, %arg1, %lt3A : i32
      %convert_element_type3A_15 = arith.extui %lt3A_14 : i1 to i32
      %cond3A_16 = arith.constant 0 : i32
      %cond3A_17 = arith.cmpi ne, %convert_element_type3A_15, %cond3A_16 : i32
      scf.if %cond3A_17 {
        %mul3A_23 = arith.constant 632 : i32
        %mul3A_24 = arith.muli %arg1, %mul3A_23 : i32
        %mul3A_25 = arith.constant 632 : i32
        %mul3A_26 = arith.muli %arg1, %mul3A_25 : i32
        "tpu.region"() ({
          %run_scoped3A = tpu.sem_alloc : memref<!tpu.dma_semaphore, #tpu.memory_space<semaphore_mem>>
          %dma_start3A = arith.constant 0 : i32
          %dma_start3A_27 = tpu.memref_slice %arg8[%mul3A_26, %dma_start3A] : memref<10000x128xf32, #tpu.memory_space<hbm>> -> memref<632x128xf32, #tpu.memory_space<hbm>>
          %dma_start3A_28 = arith.constant 0 : i32
          %dma_start3A_29 = tpu.memref_slice %arg13[%mul3A_24, %dma_start3A_28] : memref<10240x128xf32, #tpu.memory_space<vmem_shared>> -> memref<632x128xf32, #tpu.memory_space<vmem_shared>>
          tpu.enqueue_dma source(%dma_start3A_29 : memref<632x128xf32, #tpu.memory_space<vmem_shared>>) target(%dma_start3A_27 : memref<632x128xf32, #tpu.memory_space<hbm>>) target_semaphore(%run_scoped3A : memref<!tpu.dma_semaphore, #tpu.memory_space<semaphore_mem>>)
          %dma_wait3A = arith.constant 0 : i32
          %dma_wait3A_30 = tpu.memref_slice %arg8[%mul3A_26, %dma_wait3A] : memref<10000x128xf32, #tpu.memory_space<hbm>> -> memref<632x128xf32, #tpu.memory_space<hbm>>
          %dma_wait3A_31 = arith.constant 0 : i32
          %dma_wait3A_32 = tpu.memref_slice %arg13[%mul3A_24, %dma_wait3A_31] : memref<10240x128xf32, #tpu.memory_space<vmem_shared>> -> memref<632x128xf32, #tpu.memory_space<vmem_shared>>
          tpu.wait_dma2 semaphore(%run_scoped3A : memref<!tpu.dma_semaphore, #tpu.memory_space<semaphore_mem>>) src(%dma_wait3A_32 : memref<632x128xf32, #tpu.memory_space<vmem_shared>>) dst(%dma_wait3A_30 : memref<632x128xf32, #tpu.memory_space<hbm>>)
          tpu.yield
        }) : () -> ()
      } else {
      }
      %eq3A_18 = arith.constant 15 : i32
      %eq3A_19 = arith.cmpi eq, %arg1, %eq3A_18 : i32
      %convert_element_type3A_20 = arith.extui %eq3A_19 : i1 to i32
      %cond3A_21 = arith.constant 0 : i32
      %cond3A_22 = arith.cmpi ne, %convert_element_type3A_20, %cond3A_21 : i32
      scf.if %cond3A_22 {
        "tpu.region"() ({
          %run_scoped3A = tpu.sem_alloc : memref<!tpu.dma_semaphore, #tpu.memory_space<semaphore_mem>>
          %dma_start3A = arith.constant 9480 : i32
          %dma_start3A_23 = arith.constant 0 : i32
          %dma_start3A_24 = tpu.memref_slice %arg8[%dma_start3A, %dma_start3A_23] : memref<10000x128xf32, #tpu.memory_space<hbm>> -> memref<520x128xf32, #tpu.memory_space<hbm>>
          %dma_start3A_25 = arith.constant 9480 : i32
          %dma_start3A_26 = arith.constant 0 : i32
          %dma_start3A_27 = tpu.memref_slice %arg13[%dma_start3A_25, %dma_start3A_26] : memref<10240x128xf32, #tpu.memory_space<vmem_shared>> -> memref<520x128xf32, #tpu.memory_space<vmem_shared>>
          tpu.enqueue_dma source(%dma_start3A_27 : memref<520x128xf32, #tpu.memory_space<vmem_shared>>) target(%dma_start3A_24 : memref<520x128xf32, #tpu.memory_space<hbm>>) target_semaphore(%run_scoped3A : memref<!tpu.dma_semaphore, #tpu.memory_space<semaphore_mem>>)
          %dma_wait3A = arith.constant 9480 : i32
          %dma_wait3A_28 = arith.constant 0 : i32
          %dma_wait3A_29 = tpu.memref_slice %arg8[%dma_wait3A, %dma_wait3A_28] : memref<10000x128xf32, #tpu.memory_space<hbm>> -> memref<520x128xf32, #tpu.memory_space<hbm>>
          %dma_wait3A_30 = arith.constant 9480 : i32
          %dma_wait3A_31 = arith.constant 0 : i32
          %dma_wait3A_32 = tpu.memref_slice %arg13[%dma_wait3A_30, %dma_wait3A_31] : memref<10240x128xf32, #tpu.memory_space<vmem_shared>> -> memref<520x128xf32, #tpu.memory_space<vmem_shared>>
          tpu.wait_dma2 semaphore(%run_scoped3A : memref<!tpu.dma_semaphore, #tpu.memory_space<semaphore_mem>>) src(%dma_wait3A_32 : memref<520x128xf32, #tpu.memory_space<vmem_shared>>) dst(%dma_wait3A_29 : memref<520x128xf32, #tpu.memory_space<hbm>>)
          tpu.yield
        }) : () -> ()
      } else {
      }
    } else {
    }
    return
  }
}

module attributes {stable_mosaic.version = 14 : i64} {
  func.func @_stats_body(%arg0: i32, %arg1: memref<1000x256xf32, #tpu.memory_space<vmem>>, %arg2: memref<4x256x512xf32, #tpu.memory_space<vmem>>, %arg3: memref<4x1x512xf32, #tpu.memory_space<vmem>>, %arg4: memref<4x1x512xf32, #tpu.memory_space<vmem>>, %arg5: memref<4x1x512xf32, #tpu.memory_space<vmem>>, %arg6: memref<4x1x512xf32, #tpu.memory_space<vmem>>, %arg7: memref<256x256xf32, #tpu.memory_space<vmem>>, %arg8: memref<1x256xf32, #tpu.memory_space<vmem>>) attributes {dimension_semantics = [#tpu.dimension_semantics<arbitrary>], iteration_bounds = array<i64: 10>, scalar_prefetch = 0 : i64, scratch_operands = 2 : i64, tpu.core_type = #tpu.core_type<tc>, window_params = [{transform_indices = @transform_0, window_bounds = array<i64: 1000, 256>}, {pipeline_mode = #tpu.pipeline_mode<synchronous>, transform_indices = @transform_1, window_bounds = array<i64: 4, 256, 512>}, {pipeline_mode = #tpu.pipeline_mode<synchronous>, transform_indices = @transform_2, window_bounds = array<i64: 4, 1, 512>}, {pipeline_mode = #tpu.pipeline_mode<synchronous>, transform_indices = @transform_3, window_bounds = array<i64: 4, 1, 512>}, {pipeline_mode = #tpu.pipeline_mode<synchronous>, transform_indices = @transform_4, window_bounds = array<i64: 4, 1, 512>}, {pipeline_mode = #tpu.pipeline_mode<synchronous>, transform_indices = @transform_5, window_bounds = array<i64: 4, 1, 512>}]} {
    %eq3A = arith.constant 0 : i32
    %eq3A_0 = arith.cmpi eq, %arg0, %eq3A : i32
    %convert_element_type3A = arith.extui %eq3A_0 : i1 to i32
    %cond3A = arith.constant 0 : i32
    %cond3A_1 = arith.cmpi ne, %convert_element_type3A, %cond3A : i32
    scf.if %cond3A_1 {
      %broadcast_in_dim3A_23 = arith.constant 0.000000e+00 : f32
      %broadcast_in_dim3A_24 = vector.broadcast %broadcast_in_dim3A_23 : f32 to vector<256x256xf32>
      %swap3A_25 = arith.constant 0 : index
      %swap3A_26 = arith.constant 0 : index
      %swap3A_27 = vector.load %arg7[%swap3A_25, %swap3A_26] : memref<256x256xf32, #tpu.memory_space<vmem>>, vector<256x256xf32>
      tpu.vector_store %arg7[%swap3A_25, %swap3A_26], %broadcast_in_dim3A_24 {strides = array<i32>} : memref<256x256xf32, #tpu.memory_space<vmem>>, vector<256x256xf32>,
      %broadcast_in_dim3A_28 = arith.constant 0.000000e+00 : f32
      %broadcast_in_dim3A_29 = vector.broadcast %broadcast_in_dim3A_28 : f32 to vector<1x256xf32>
      %swap3A_30 = arith.constant 0 : index
      %swap3A_31 = arith.constant 0 : index
      %swap3A_32 = vector.load %arg8[%swap3A_30, %swap3A_31] : memref<1x256xf32, #tpu.memory_space<vmem>>, vector<1x256xf32>
      tpu.vector_store %arg8[%swap3A_30, %swap3A_31], %broadcast_in_dim3A_29 {strides = array<i32>} : memref<1x256xf32, #tpu.memory_space<vmem>>, vector<1x256xf32>,
    } else {
    }
    %get3A = arith.constant 0 : index
    %get3A_2 = arith.constant 0 : index
    %get3A_3 = vector.load %arg1[%get3A, %get3A_2] : memref<1000x256xf32, #tpu.memory_space<vmem>>, vector<1000x256xf32>
    %get3A_4 = arith.constant 0 : index
    %get3A_5 = arith.constant 0 : index
    %get3A_6 = vector.load %arg7[%get3A_4, %get3A_5] : memref<256x256xf32, #tpu.memory_space<vmem>>, vector<256x256xf32>
    %dot_general3A = arith.constant dense<0.000000e+00> : vector<256x256xf32>
    %dot_general3A_7 = tpu.matmul %get3A_3, %get3A_3, %dot_general3A {dimension_numbers = #tpu.dot_dimension_numbers<[0], [0], [1], [1], [0, 1, 1, 1], [], []>, transpose_lhs_hint = false} : vector<1000x256xf32>, vector<1000x256xf32>, vector<256x256xf32> -> vector<256x256xf32>
    %add3A = arith.addf %get3A_6, %dot_general3A_7 : vector<256x256xf32>
    %swap3A = arith.constant 0 : index
    %swap3A_8 = arith.constant 0 : index
    %swap3A_9 = vector.load %arg7[%swap3A, %swap3A_8] : memref<256x256xf32, #tpu.memory_space<vmem>>, vector<256x256xf32>
    tpu.vector_store %arg7[%swap3A, %swap3A_8], %add3A {strides = array<i32>} : memref<256x256xf32, #tpu.memory_space<vmem>>, vector<256x256xf32>,
    %get3A_10 = arith.constant 0 : index
    %get3A_11 = arith.constant 0 : index
    %get3A_12 = vector.load %arg8[%get3A_10, %get3A_11] : memref<1x256xf32, #tpu.memory_space<vmem>>, vector<1x256xf32>
    %reduce_sum3A = arith.constant dense<0.000000e+00> : vector<256xf32>
    %reduce_sum3A_13 = vector.multi_reduction <add>, %get3A_3, %reduce_sum3A [0] : vector<1000x256xf32> to vector<256xf32>
    %broadcast_in_dim3A = vector.shape_cast %reduce_sum3A_13 : vector<256xf32> to vector<1x256xf32>
    %add3A_14 = arith.addf %get3A_12, %broadcast_in_dim3A : vector<1x256xf32>
    %swap3A_15 = arith.constant 0 : index
    %swap3A_16 = arith.constant 0 : index
    %swap3A_17 = vector.load %arg8[%swap3A_15, %swap3A_16] : memref<1x256xf32, #tpu.memory_space<vmem>>, vector<1x256xf32>
    tpu.vector_store %arg8[%swap3A_15, %swap3A_16], %add3A_14 {strides = array<i32>} : memref<1x256xf32, #tpu.memory_space<vmem>>, vector<1x256xf32>,
    %eq3A_18 = arith.constant 9 : i32
    %eq3A_19 = arith.cmpi eq, %arg0, %eq3A_18 : i32
    %convert_element_type3A_20 = arith.extui %eq3A_19 : i1 to i32
    %cond3A_21 = arith.constant 0 : i32
    %cond3A_22 = arith.cmpi ne, %convert_element_type3A_20, %cond3A_21 : i32
    scf.if %cond3A_22 {
      %get3A_23 = arith.constant 0 : index
      %get3A_24 = arith.constant 0 : index
      %get3A_25 = vector.load %arg7[%get3A_23, %get3A_24] : memref<256x256xf32, #tpu.memory_space<vmem>>, vector<256x256xf32>
      %get3A_26 = arith.constant 0 : index
      %get3A_27 = arith.constant 0 : index
      %get3A_28 = vector.load %arg8[%get3A_26, %get3A_27] : memref<1x256xf32, #tpu.memory_space<vmem>>, vector<1x256xf32>
      %get3A_29 = arith.constant 0 : index
      %get3A_30 = arith.constant 0 : index
      %get3A_31 = arith.constant 0 : index
      %get3A_32 = vector.load %arg2[%get3A_29, %get3A_30, %get3A_31] : memref<4x256x512xf32, #tpu.memory_space<vmem>>, vector<1x256x512xf32>
      %get3A_33 = vector.shape_cast %get3A_32 : vector<1x256x512xf32> to vector<256x512xf32>
      %dot_general3A_34 = arith.constant dense<0.000000e+00> : vector<1x512xf32>
      %dot_general3A_35 = tpu.matmul %get3A_28, %get3A_33, %dot_general3A_34 {dimension_numbers = #tpu.dot_dimension_numbers<[1], [0], [0], [1], [0, 0, 1, 1], [], []>, transpose_lhs_hint = false} : vector<1x256xf32>, vector<256x512xf32>, vector<1x512xf32> -> vector<1x512xf32>
      %div3A = arith.constant 1.000000e+04 : f32
      %div3A_36 = vector.broadcast %div3A : f32 to vector<1x512xf32>
      %div3A_37 = arith.divf %dot_general3A_35, %div3A_36 : vector<1x512xf32>
      %dot_general3A_38 = arith.constant dense<0.000000e+00> : vector<256x512xf32>
      %dot_general3A_39 = tpu.matmul %get3A_25, %get3A_33, %dot_general3A_38 {dimension_numbers = #tpu.dot_dimension_numbers<[1], [0], [0], [1], [0, 0, 1, 1], [], []>, transpose_lhs_hint = false} : vector<256x256xf32>, vector<256x512xf32>, vector<256x512xf32> -> vector<256x512xf32>
      %mul3A = arith.mulf %get3A_33, %dot_general3A_39 : vector<256x512xf32>
      %reduce_sum3A_40 = arith.constant dense<0.000000e+00> : vector<512xf32>
      %reduce_sum3A_41 = vector.multi_reduction <add>, %mul3A, %reduce_sum3A_40 [0] : vector<256x512xf32> to vector<512xf32>
      %broadcast_in_dim3A_42 = vector.shape_cast %reduce_sum3A_41 : vector<512xf32> to vector<1x512xf32>
      %div3A_43 = arith.constant 1.000000e+04 : f32
      %div3A_44 = vector.broadcast %div3A_43 : f32 to vector<1x512xf32>
      %div3A_45 = arith.divf %broadcast_in_dim3A_42, %div3A_44 : vector<1x512xf32>
      %mul3A_46 = arith.mulf %div3A_37, %div3A_37 : vector<1x512xf32>
      %sub3A = arith.subf %div3A_45, %mul3A_46 : vector<1x512xf32>
      %add3A_47 = arith.constant 9.99999974E-6 : f32
      %add3A_48 = vector.broadcast %add3A_47 : f32 to vector<1x512xf32>
      %add3A_49 = arith.addf %sub3A, %add3A_48 : vector<1x512xf32>
      %rsqrt3A = math.rsqrt %add3A_49 : vector<1x512xf32>
      %get3A_50 = arith.constant 0 : index
      %get3A_51 = arith.constant 0 : index
      %get3A_52 = arith.constant 0 : index
      %get3A_53 = vector.load %arg3[%get3A_50, %get3A_51, %get3A_52] : memref<4x1x512xf32, #tpu.memory_space<vmem>>, vector<1x1x512xf32>
      %get3A_54 = vector.shape_cast %get3A_53 : vector<1x1x512xf32> to vector<1x512xf32>
      %mul3A_55 = arith.mulf %get3A_54, %rsqrt3A : vector<1x512xf32>
      %swap3A_56 = arith.constant 0 : index
      %swap3A_57 = arith.constant 0 : index
      %swap3A_58 = arith.constant 0 : index
      %swap3A_59 = vector.load %arg5[%swap3A_56, %swap3A_57, %swap3A_58] : memref<4x1x512xf32, #tpu.memory_space<vmem>>, vector<1x1x512xf32>
      %swap3A_60 = vector.shape_cast %swap3A_59 : vector<1x1x512xf32> to vector<1x512xf32>
      %swap3A_61 = vector.shape_cast %mul3A_55 : vector<1x512xf32> to vector<1x1x512xf32>
      tpu.vector_store %arg5[%swap3A_56, %swap3A_57, %swap3A_58], %swap3A_61 {strides = array<i32>} : memref<4x1x512xf32, #tpu.memory_space<vmem>>, vector<1x1x512xf32>,
      %get3A_62 = arith.constant 0 : index
      %get3A_63 = arith.constant 0 : index
      %get3A_64 = arith.constant 0 : index
      %get3A_65 = vector.load %arg4[%get3A_62, %get3A_63, %get3A_64] : memref<4x1x512xf32, #tpu.memory_space<vmem>>, vector<1x1x512xf32>
      %get3A_66 = vector.shape_cast %get3A_65 : vector<1x1x512xf32> to vector<1x512xf32>
      %mul3A_67 = arith.mulf %div3A_37, %get3A_54 : vector<1x512xf32>
      %mul3A_68 = arith.mulf %mul3A_67, %rsqrt3A : vector<1x512xf32>
      %sub3A_69 = arith.subf %get3A_66, %mul3A_68 : vector<1x512xf32>
      %swap3A_70 = arith.constant 0 : index
      %swap3A_71 = arith.constant 0 : index
      %swap3A_72 = arith.constant 0 : index
      %swap3A_73 = vector.load %arg6[%swap3A_70, %swap3A_71, %swap3A_72] : memref<4x1x512xf32, #tpu.memory_space<vmem>>, vector<1x1x512xf32>
      %swap3A_74 = vector.shape_cast %swap3A_73 : vector<1x1x512xf32> to vector<1x512xf32>
      %swap3A_75 = vector.shape_cast %sub3A_69 : vector<1x512xf32> to vector<1x1x512xf32>
      tpu.vector_store %arg6[%swap3A_70, %swap3A_71, %swap3A_72], %swap3A_75 {strides = array<i32>} : memref<4x1x512xf32, #tpu.memory_space<vmem>>, vector<1x1x512xf32>,
      %get3A_76 = arith.constant 1 : index
      %get3A_77 = arith.constant 0 : index
      %get3A_78 = arith.constant 0 : index
      %get3A_79 = vector.load %arg2[%get3A_76, %get3A_77, %get3A_78] : memref<4x256x512xf32, #tpu.memory_space<vmem>>, vector<1x256x512xf32>
      %get3A_80 = vector.shape_cast %get3A_79 : vector<1x256x512xf32> to vector<256x512xf32>
      %dot_general3A_81 = arith.constant dense<0.000000e+00> : vector<1x512xf32>
      %dot_general3A_82 = tpu.matmul %get3A_28, %get3A_80, %dot_general3A_81 {dimension_numbers = #tpu.dot_dimension_numbers<[1], [0], [0], [1], [0, 0, 1, 1], [], []>, transpose_lhs_hint = false} : vector<1x256xf32>, vector<256x512xf32>, vector<1x512xf32> -> vector<1x512xf32>
      %div3A_83 = arith.constant 1.000000e+04 : f32
      %div3A_84 = vector.broadcast %div3A_83 : f32 to vector<1x512xf32>
      %div3A_85 = arith.divf %dot_general3A_82, %div3A_84 : vector<1x512xf32>
      %dot_general3A_86 = arith.constant dense<0.000000e+00> : vector<256x512xf32>
      %dot_general3A_87 = tpu.matmul %get3A_25, %get3A_80, %dot_general3A_86 {dimension_numbers = #tpu.dot_dimension_numbers<[1], [0], [0], [1], [0, 0, 1, 1], [], []>, transpose_lhs_hint = false} : vector<256x256xf32>, vector<256x512xf32>, vector<256x512xf32> -> vector<256x512xf32>
      %mul3A_88 = arith.mulf %get3A_80, %dot_general3A_87 : vector<256x512xf32>
      %reduce_sum3A_89 = arith.constant dense<0.000000e+00> : vector<512xf32>
      %reduce_sum3A_90 = vector.multi_reduction <add>, %mul3A_88, %reduce_sum3A_89 [0] : vector<256x512xf32> to vector<512xf32>
      %broadcast_in_dim3A_91 = vector.shape_cast %reduce_sum3A_90 : vector<512xf32> to vector<1x512xf32>
      %div3A_92 = arith.constant 1.000000e+04 : f32
      %div3A_93 = vector.broadcast %div3A_92 : f32 to vector<1x512xf32>
      %div3A_94 = arith.divf %broadcast_in_dim3A_91, %div3A_93 : vector<1x512xf32>
      %mul3A_95 = arith.mulf %div3A_85, %div3A_85 : vector<1x512xf32>
      %sub3A_96 = arith.subf %div3A_94, %mul3A_95 : vector<1x512xf32>
      %add3A_97 = arith.constant 9.99999974E-6 : f32
      %add3A_98 = vector.broadcast %add3A_97 : f32 to vector<1x512xf32>
      %add3A_99 = arith.addf %sub3A_96, %add3A_98 : vector<1x512xf32>
      %rsqrt3A_100 = math.rsqrt %add3A_99 : vector<1x512xf32>
      %get3A_101 = arith.constant 1 : index
      %get3A_102 = arith.constant 0 : index
      %get3A_103 = arith.constant 0 : index
      %get3A_104 = vector.load %arg3[%get3A_101, %get3A_102, %get3A_103] : memref<4x1x512xf32, #tpu.memory_space<vmem>>, vector<1x1x512xf32>
      %get3A_105 = vector.shape_cast %get3A_104 : vector<1x1x512xf32> to vector<1x512xf32>
      %mul3A_106 = arith.mulf %get3A_105, %rsqrt3A_100 : vector<1x512xf32>
      %swap3A_107 = arith.constant 1 : index
      %swap3A_108 = arith.constant 0 : index
      %swap3A_109 = arith.constant 0 : index
      %swap3A_110 = vector.load %arg5[%swap3A_107, %swap3A_108, %swap3A_109] : memref<4x1x512xf32, #tpu.memory_space<vmem>>, vector<1x1x512xf32>
      %swap3A_111 = vector.shape_cast %swap3A_110 : vector<1x1x512xf32> to vector<1x512xf32>
      %swap3A_112 = vector.shape_cast %mul3A_106 : vector<1x512xf32> to vector<1x1x512xf32>
      tpu.vector_store %arg5[%swap3A_107, %swap3A_108, %swap3A_109], %swap3A_112 {strides = array<i32>} : memref<4x1x512xf32, #tpu.memory_space<vmem>>, vector<1x1x512xf32>,
      %get3A_113 = arith.constant 1 : index
      %get3A_114 = arith.constant 0 : index
      %get3A_115 = arith.constant 0 : index
      %get3A_116 = vector.load %arg4[%get3A_113, %get3A_114, %get3A_115] : memref<4x1x512xf32, #tpu.memory_space<vmem>>, vector<1x1x512xf32>
      %get3A_117 = vector.shape_cast %get3A_116 : vector<1x1x512xf32> to vector<1x512xf32>
      %mul3A_118 = arith.mulf %div3A_85, %get3A_105 : vector<1x512xf32>
      %mul3A_119 = arith.mulf %mul3A_118, %rsqrt3A_100 : vector<1x512xf32>
      %sub3A_120 = arith.subf %get3A_117, %mul3A_119 : vector<1x512xf32>
      %swap3A_121 = arith.constant 1 : index
      %swap3A_122 = arith.constant 0 : index
      %swap3A_123 = arith.constant 0 : index
      %swap3A_124 = vector.load %arg6[%swap3A_121, %swap3A_122, %swap3A_123] : memref<4x1x512xf32, #tpu.memory_space<vmem>>, vector<1x1x512xf32>
      %swap3A_125 = vector.shape_cast %swap3A_124 : vector<1x1x512xf32> to vector<1x512xf32>
      %swap3A_126 = vector.shape_cast %sub3A_120 : vector<1x512xf32> to vector<1x1x512xf32>
      tpu.vector_store %arg6[%swap3A_121, %swap3A_122, %swap3A_123], %swap3A_126 {strides = array<i32>} : memref<4x1x512xf32, #tpu.memory_space<vmem>>, vector<1x1x512xf32>,
      %get3A_127 = arith.constant 2 : index
      %get3A_128 = arith.constant 0 : index
      %get3A_129 = arith.constant 0 : index
      %get3A_130 = vector.load %arg2[%get3A_127, %get3A_128, %get3A_129] : memref<4x256x512xf32, #tpu.memory_space<vmem>>, vector<1x256x512xf32>
      %get3A_131 = vector.shape_cast %get3A_130 : vector<1x256x512xf32> to vector<256x512xf32>
      %dot_general3A_132 = arith.constant dense<0.000000e+00> : vector<1x512xf32>
      %dot_general3A_133 = tpu.matmul %get3A_28, %get3A_131, %dot_general3A_132 {dimension_numbers = #tpu.dot_dimension_numbers<[1], [0], [0], [1], [0, 0, 1, 1], [], []>, transpose_lhs_hint = false} : vector<1x256xf32>, vector<256x512xf32>, vector<1x512xf32> -> vector<1x512xf32>
      %div3A_134 = arith.constant 1.000000e+04 : f32
      %div3A_135 = vector.broadcast %div3A_134 : f32 to vector<1x512xf32>
      %div3A_136 = arith.divf %dot_general3A_133, %div3A_135 : vector<1x512xf32>
      %dot_general3A_137 = arith.constant dense<0.000000e+00> : vector<256x512xf32>
      %dot_general3A_138 = tpu.matmul %get3A_25, %get3A_131, %dot_general3A_137 {dimension_numbers = #tpu.dot_dimension_numbers<[1], [0], [0], [1], [0, 0, 1, 1], [], []>, transpose_lhs_hint = false} : vector<256x256xf32>, vector<256x512xf32>, vector<256x512xf32> -> vector<256x512xf32>
      %mul3A_139 = arith.mulf %get3A_131, %dot_general3A_138 : vector<256x512xf32>
      %reduce_sum3A_140 = arith.constant dense<0.000000e+00> : vector<512xf32>
      %reduce_sum3A_141 = vector.multi_reduction <add>, %mul3A_139, %reduce_sum3A_140 [0] : vector<256x512xf32> to vector<512xf32>
      %broadcast_in_dim3A_142 = vector.shape_cast %reduce_sum3A_141 : vector<512xf32> to vector<1x512xf32>
      %div3A_143 = arith.constant 1.000000e+04 : f32
      %div3A_144 = vector.broadcast %div3A_143 : f32 to vector<1x512xf32>
      %div3A_145 = arith.divf %broadcast_in_dim3A_142, %div3A_144 : vector<1x512xf32>
      %mul3A_146 = arith.mulf %div3A_136, %div3A_136 : vector<1x512xf32>
      %sub3A_147 = arith.subf %div3A_145, %mul3A_146 : vector<1x512xf32>
      %add3A_148 = arith.constant 9.99999974E-6 : f32
      %add3A_149 = vector.broadcast %add3A_148 : f32 to vector<1x512xf32>
      %add3A_150 = arith.addf %sub3A_147, %add3A_149 : vector<1x512xf32>
      %rsqrt3A_151 = math.rsqrt %add3A_150 : vector<1x512xf32>
      %get3A_152 = arith.constant 2 : index
      %get3A_153 = arith.constant 0 : index
      %get3A_154 = arith.constant 0 : index
      %get3A_155 = vector.load %arg3[%get3A_152, %get3A_153, %get3A_154] : memref<4x1x512xf32, #tpu.memory_space<vmem>>, vector<1x1x512xf32>
      %get3A_156 = vector.shape_cast %get3A_155 : vector<1x1x512xf32> to vector<1x512xf32>
      %mul3A_157 = arith.mulf %get3A_156, %rsqrt3A_151 : vector<1x512xf32>
      %swap3A_158 = arith.constant 2 : index
      %swap3A_159 = arith.constant 0 : index
      %swap3A_160 = arith.constant 0 : index
      %swap3A_161 = vector.load %arg5[%swap3A_158, %swap3A_159, %swap3A_160] : memref<4x1x512xf32, #tpu.memory_space<vmem>>, vector<1x1x512xf32>
      %swap3A_162 = vector.shape_cast %swap3A_161 : vector<1x1x512xf32> to vector<1x512xf32>
      %swap3A_163 = vector.shape_cast %mul3A_157 : vector<1x512xf32> to vector<1x1x512xf32>
      tpu.vector_store %arg5[%swap3A_158, %swap3A_159, %swap3A_160], %swap3A_163 {strides = array<i32>} : memref<4x1x512xf32, #tpu.memory_space<vmem>>, vector<1x1x512xf32>,
      %get3A_164 = arith.constant 2 : index
      %get3A_165 = arith.constant 0 : index
      %get3A_166 = arith.constant 0 : index
      %get3A_167 = vector.load %arg4[%get3A_164, %get3A_165, %get3A_166] : memref<4x1x512xf32, #tpu.memory_space<vmem>>, vector<1x1x512xf32>
      %get3A_168 = vector.shape_cast %get3A_167 : vector<1x1x512xf32> to vector<1x512xf32>
      %mul3A_169 = arith.mulf %div3A_136, %get3A_156 : vector<1x512xf32>
      %mul3A_170 = arith.mulf %mul3A_169, %rsqrt3A_151 : vector<1x512xf32>
      %sub3A_171 = arith.subf %get3A_168, %mul3A_170 : vector<1x512xf32>
      %swap3A_172 = arith.constant 2 : index
      %swap3A_173 = arith.constant 0 : index
      %swap3A_174 = arith.constant 0 : index
      %swap3A_175 = vector.load %arg6[%swap3A_172, %swap3A_173, %swap3A_174] : memref<4x1x512xf32, #tpu.memory_space<vmem>>, vector<1x1x512xf32>
      %swap3A_176 = vector.shape_cast %swap3A_175 : vector<1x1x512xf32> to vector<1x512xf32>
      %swap3A_177 = vector.shape_cast %sub3A_171 : vector<1x512xf32> to vector<1x1x512xf32>
      tpu.vector_store %arg6[%swap3A_172, %swap3A_173, %swap3A_174], %swap3A_177 {strides = array<i32>} : memref<4x1x512xf32, #tpu.memory_space<vmem>>, vector<1x1x512xf32>,
      %get3A_178 = arith.constant 3 : index
      %get3A_179 = arith.constant 0 : index
      %get3A_180 = arith.constant 0 : index
      %get3A_181 = vector.load %arg2[%get3A_178, %get3A_179, %get3A_180] : memref<4x256x512xf32, #tpu.memory_space<vmem>>, vector<1x256x512xf32>
      %get3A_182 = vector.shape_cast %get3A_181 : vector<1x256x512xf32> to vector<256x512xf32>
      %dot_general3A_183 = arith.constant dense<0.000000e+00> : vector<1x512xf32>
      %dot_general3A_184 = tpu.matmul %get3A_28, %get3A_182, %dot_general3A_183 {dimension_numbers = #tpu.dot_dimension_numbers<[1], [0], [0], [1], [0, 0, 1, 1], [], []>, transpose_lhs_hint = false} : vector<1x256xf32>, vector<256x512xf32>, vector<1x512xf32> -> vector<1x512xf32>
      %div3A_185 = arith.constant 1.000000e+04 : f32
      %div3A_186 = vector.broadcast %div3A_185 : f32 to vector<1x512xf32>
      %div3A_187 = arith.divf %dot_general3A_184, %div3A_186 : vector<1x512xf32>
      %dot_general3A_188 = arith.constant dense<0.000000e+00> : vector<256x512xf32>
      %dot_general3A_189 = tpu.matmul %get3A_25, %get3A_182, %dot_general3A_188 {dimension_numbers = #tpu.dot_dimension_numbers<[1], [0], [0], [1], [0, 0, 1, 1], [], []>, transpose_lhs_hint = false} : vector<256x256xf32>, vector<256x512xf32>, vector<256x512xf32> -> vector<256x512xf32>
      %mul3A_190 = arith.mulf %get3A_182, %dot_general3A_189 : vector<256x512xf32>
      %reduce_sum3A_191 = arith.constant dense<0.000000e+00> : vector<512xf32>
      %reduce_sum3A_192 = vector.multi_reduction <add>, %mul3A_190, %reduce_sum3A_191 [0] : vector<256x512xf32> to vector<512xf32>
      %broadcast_in_dim3A_193 = vector.shape_cast %reduce_sum3A_192 : vector<512xf32> to vector<1x512xf32>
      %div3A_194 = arith.constant 1.000000e+04 : f32
      %div3A_195 = vector.broadcast %div3A_194 : f32 to vector<1x512xf32>
      %div3A_196 = arith.divf %broadcast_in_dim3A_193, %div3A_195 : vector<1x512xf32>
      %mul3A_197 = arith.mulf %div3A_187, %div3A_187 : vector<1x512xf32>
      %sub3A_198 = arith.subf %div3A_196, %mul3A_197 : vector<1x512xf32>
      %add3A_199 = arith.constant 9.99999974E-6 : f32
      %add3A_200 = vector.broadcast %add3A_199 : f32 to vector<1x512xf32>
      %add3A_201 = arith.addf %sub3A_198, %add3A_200 : vector<1x512xf32>
      %rsqrt3A_202 = math.rsqrt %add3A_201 : vector<1x512xf32>
      %get3A_203 = arith.constant 3 : index
      %get3A_204 = arith.constant 0 : index
      %get3A_205 = arith.constant 0 : index
      %get3A_206 = vector.load %arg3[%get3A_203, %get3A_204, %get3A_205] : memref<4x1x512xf32, #tpu.memory_space<vmem>>, vector<1x1x512xf32>
      %get3A_207 = vector.shape_cast %get3A_206 : vector<1x1x512xf32> to vector<1x512xf32>
      %mul3A_208 = arith.mulf %get3A_207, %rsqrt3A_202 : vector<1x512xf32>
      %swap3A_209 = arith.constant 3 : index
      %swap3A_210 = arith.constant 0 : index
      %swap3A_211 = arith.constant 0 : index
      %swap3A_212 = vector.load %arg5[%swap3A_209, %swap3A_210, %swap3A_211] : memref<4x1x512xf32, #tpu.memory_space<vmem>>, vector<1x1x512xf32>
      %swap3A_213 = vector.shape_cast %swap3A_212 : vector<1x1x512xf32> to vector<1x512xf32>
      %swap3A_214 = vector.shape_cast %mul3A_208 : vector<1x512xf32> to vector<1x1x512xf32>
      tpu.vector_store %arg5[%swap3A_209, %swap3A_210, %swap3A_211], %swap3A_214 {strides = array<i32>} : memref<4x1x512xf32, #tpu.memory_space<vmem>>, vector<1x1x512xf32>,
      %get3A_215 = arith.constant 3 : index
      %get3A_216 = arith.constant 0 : index
      %get3A_217 = arith.constant 0 : index
      %get3A_218 = vector.load %arg4[%get3A_215, %get3A_216, %get3A_217] : memref<4x1x512xf32, #tpu.memory_space<vmem>>, vector<1x1x512xf32>
      %get3A_219 = vector.shape_cast %get3A_218 : vector<1x1x512xf32> to vector<1x512xf32>
      %mul3A_220 = arith.mulf %div3A_187, %get3A_207 : vector<1x512xf32>
      %mul3A_221 = arith.mulf %mul3A_220, %rsqrt3A_202 : vector<1x512xf32>
      %sub3A_222 = arith.subf %get3A_219, %mul3A_221 : vector<1x512xf32>
      %swap3A_223 = arith.constant 3 : index
      %swap3A_224 = arith.constant 0 : index
      %swap3A_225 = arith.constant 0 : index
      %swap3A_226 = vector.load %arg6[%swap3A_223, %swap3A_224, %swap3A_225] : memref<4x1x512xf32, #tpu.memory_space<vmem>>, vector<1x1x512xf32>
      %swap3A_227 = vector.shape_cast %swap3A_226 : vector<1x1x512xf32> to vector<1x512xf32>
      %swap3A_228 = vector.shape_cast %sub3A_222 : vector<1x512xf32> to vector<1x1x512xf32>
      tpu.vector_store %arg6[%swap3A_223, %swap3A_224, %swap3A_225], %swap3A_228 {strides = array<i32>} : memref<4x1x512xf32, #tpu.memory_space<vmem>>, vector<1x1x512xf32>,
    } else {
    }
    return
  }
  func.func @transform_0(%arg0: i32) -> (i32, i32) {
    %c0_i32 = arith.constant 0 : i32
    %c0_i32_0 = arith.constant 0 : i32
    return %arg0, %c0_i32 : i32, i32
  }
  func.func @transform_1(%arg0: i32) -> (i32, i32, i32) {
    %c0_i32 = arith.constant 0 : i32
    %c0_i32_0 = arith.constant 0 : i32
    %c0_i32_1 = arith.constant 0 : i32
    %c0_i32_2 = arith.constant 0 : i32
    return %c0_i32, %c0_i32_0, %c0_i32_1 : i32, i32, i32
  }
  func.func @transform_2(%arg0: i32) -> (i32, i32, i32) {
    %c0_i32 = arith.constant 0 : i32
    %c0_i32_0 = arith.constant 0 : i32
    %c0_i32_1 = arith.constant 0 : i32
    %c0_i32_2 = arith.constant 0 : i32
    return %c0_i32, %c0_i32_0, %c0_i32_1 : i32, i32, i32
  }
  func.func @transform_3(%arg0: i32) -> (i32, i32, i32) {
    %c0_i32 = arith.constant 0 : i32
    %c0_i32_0 = arith.constant 0 : i32
    %c0_i32_1 = arith.constant 0 : i32
    %c0_i32_2 = arith.constant 0 : i32
    return %c0_i32, %c0_i32_0, %c0_i32_1 : i32, i32, i32
  }
  func.func @transform_4(%arg0: i32) -> (i32, i32, i32) {
    %c0_i32 = arith.constant 0 : i32
    %c0_i32_0 = arith.constant 0 : i32
    %c0_i32_1 = arith.constant 0 : i32
    %c0_i32_2 = arith.constant 0 : i32
    return %c0_i32, %c0_i32_0, %c0_i32_1 : i32, i32, i32
  }
  func.func @transform_5(%arg0: i32) -> (i32, i32, i32) {
    %c0_i32 = arith.constant 0 : i32
    %c0_i32_0 = arith.constant 0 : i32
    %c0_i32_1 = arith.constant 0 : i32
    %c0_i32_2 = arith.constant 0 : i32
    return %c0_i32, %c0_i32_0, %c0_i32_1 : i32, i32, i32
  }
}

module attributes {stable_mosaic.version = 14 : i64} {
  func.func @_transform_body(%arg0: i32, %arg1: memref<1000x256xbf16, #tpu.memory_space<vmem>>, %arg2: memref<4x256x512xbf16, #tpu.memory_space<vmem>>, %arg3: memref<4x1x512xf32, #tpu.memory_space<vmem>>, %arg4: memref<4x1x512xf32, #tpu.memory_space<vmem>>, %arg5: memref<4x512x64xbf16, #tpu.memory_space<vmem>>, %arg6: memref<1000x128xf32, #tpu.memory_space<vmem>>, %arg7: memref<1000x128xf32, #tpu.memory_space<vmem>>) attributes {dimension_semantics = [#tpu.dimension_semantics<arbitrary>], iteration_bounds = array<i64: 10>, scalar_prefetch = 0 : i64, scratch_operands = 0 : i64, tpu.core_type = #tpu.core_type<tc>, window_params = [{transform_indices = @transform_0, window_bounds = array<i64: 1000, 256>}, {pipeline_mode = #tpu.pipeline_mode<synchronous>, transform_indices = @transform_1, window_bounds = array<i64: 4, 256, 512>}, {pipeline_mode = #tpu.pipeline_mode<synchronous>, transform_indices = @transform_2, window_bounds = array<i64: 4, 1, 512>}, {pipeline_mode = #tpu.pipeline_mode<synchronous>, transform_indices = @transform_3, window_bounds = array<i64: 4, 1, 512>}, {pipeline_mode = #tpu.pipeline_mode<synchronous>, transform_indices = @transform_4, window_bounds = array<i64: 4, 512, 64>}, {transform_indices = @transform_5, window_bounds = array<i64: 1000, 128>}, {transform_indices = @transform_6, window_bounds = array<i64: 1000, 128>}]} {
    %get3A = arith.constant 0 : index
    %get3A_0 = arith.constant 0 : index
    %get3A_1 = vector.load %arg1[%get3A, %get3A_0] : memref<1000x256xbf16, #tpu.memory_space<vmem>>, vector<1000x256xbf16>
    %get3A_2 = arith.constant 0 : index
    %get3A_3 = arith.constant 0 : index
    %get3A_4 = arith.constant 0 : index
    %get3A_5 = vector.load %arg2[%get3A_2, %get3A_3, %get3A_4] : memref<4x256x512xbf16, #tpu.memory_space<vmem>>, vector<1x256x512xbf16>
    %get3A_6 = vector.shape_cast %get3A_5 : vector<1x256x512xbf16> to vector<256x512xbf16>
    %dot_general3A = arith.constant dense<0.000000e+00> : vector<1000x512xf32>
    %dot_general3A_7 = tpu.matmul %get3A_1, %get3A_6, %dot_general3A {dimension_numbers = #tpu.dot_dimension_numbers<[1], [0], [0], [1], [0, 0, 1, 1], [], []>, transpose_lhs_hint = false} : vector<1000x256xbf16>, vector<256x512xbf16>, vector<1000x512xf32> -> vector<1000x512xf32>
    %get3A_8 = arith.constant 0 : index
    %get3A_9 = arith.constant 0 : index
    %get3A_10 = arith.constant 0 : index
    %get3A_11 = vector.load %arg3[%get3A_8, %get3A_9, %get3A_10] : memref<4x1x512xf32, #tpu.memory_space<vmem>>, vector<1x1x512xf32>
    %get3A_12 = vector.shape_cast %get3A_11 : vector<1x1x512xf32> to vector<1x512xf32>
    %mul3A = vector.broadcast %get3A_12 : vector<1x512xf32> to vector<1000x512xf32>
    %mul3A_13 = arith.mulf %dot_general3A_7, %mul3A : vector<1000x512xf32>
    %get3A_14 = arith.constant 0 : index
    %get3A_15 = arith.constant 0 : index
    %get3A_16 = arith.constant 0 : index
    %get3A_17 = vector.load %arg4[%get3A_14, %get3A_15, %get3A_16] : memref<4x1x512xf32, #tpu.memory_space<vmem>>, vector<1x1x512xf32>
    %get3A_18 = vector.shape_cast %get3A_17 : vector<1x1x512xf32> to vector<1x512xf32>
    %add3A = vector.broadcast %get3A_18 : vector<1x512xf32> to vector<1000x512xf32>
    %add3A_19 = arith.addf %mul3A_13, %add3A : vector<1000x512xf32>
    %max3A = arith.constant 0.000000e+00 : f32
    %max3A_20 = vector.broadcast %max3A : f32 to vector<1000x512xf32>
    %max3A_21 = arith.maximumf %add3A_19, %max3A_20 : vector<1000x512xf32>
    %convert_element_type3A = arith.truncf %max3A_21 : vector<1000x512xf32> to vector<1000x512xbf16>
    %get3A_22 = arith.constant 0 : index
    %get3A_23 = arith.constant 0 : index
    %get3A_24 = arith.constant 0 : index
    %get3A_25 = vector.load %arg5[%get3A_22, %get3A_23, %get3A_24] : memref<4x512x64xbf16, #tpu.memory_space<vmem>>, vector<1x512x64xbf16>
    %get3A_26 = vector.shape_cast %get3A_25 : vector<1x512x64xbf16> to vector<512x64xbf16>
    %dot_general3A_27 = arith.constant dense<0.000000e+00> : vector<1000x64xf32>
    %dot_general3A_28 = tpu.matmul %convert_element_type3A, %get3A_26, %dot_general3A_27 {dimension_numbers = #tpu.dot_dimension_numbers<[1], [0], [0], [1], [0, 0, 1, 1], [], []>, transpose_lhs_hint = false} : vector<1000x512xbf16>, vector<512x64xbf16>, vector<1000x64xf32> -> vector<1000x64xf32>
    %swap3A = arith.constant 0 : index
    %swap3A_29 = arith.constant 0 : index
    %swap3A_30 = vector.load %arg6[%swap3A, %swap3A_29] : memref<1000x128xf32, #tpu.memory_space<vmem>>, vector<1000x64xf32>
    tpu.vector_store %arg6[%swap3A, %swap3A_29], %dot_general3A_28 {strides = array<i32>} : memref<1000x128xf32, #tpu.memory_space<vmem>>, vector<1000x64xf32>,
    %get3A_31 = arith.constant 1 : index
    %get3A_32 = arith.constant 0 : index
    %get3A_33 = arith.constant 0 : index
    %get3A_34 = vector.load %arg2[%get3A_31, %get3A_32, %get3A_33] : memref<4x256x512xbf16, #tpu.memory_space<vmem>>, vector<1x256x512xbf16>
    %get3A_35 = vector.shape_cast %get3A_34 : vector<1x256x512xbf16> to vector<256x512xbf16>
    %dot_general3A_36 = arith.constant dense<0.000000e+00> : vector<1000x512xf32>
    %dot_general3A_37 = tpu.matmul %get3A_1, %get3A_35, %dot_general3A_36 {dimension_numbers = #tpu.dot_dimension_numbers<[1], [0], [0], [1], [0, 0, 1, 1], [], []>, transpose_lhs_hint = false} : vector<1000x256xbf16>, vector<256x512xbf16>, vector<1000x512xf32> -> vector<1000x512xf32>
    %get3A_38 = arith.constant 1 : index
    %get3A_39 = arith.constant 0 : index
    %get3A_40 = arith.constant 0 : index
    %get3A_41 = vector.load %arg3[%get3A_38, %get3A_39, %get3A_40] : memref<4x1x512xf32, #tpu.memory_space<vmem>>, vector<1x1x512xf32>
    %get3A_42 = vector.shape_cast %get3A_41 : vector<1x1x512xf32> to vector<1x512xf32>
    %mul3A_43 = vector.broadcast %get3A_42 : vector<1x512xf32> to vector<1000x512xf32>
    %mul3A_44 = arith.mulf %dot_general3A_37, %mul3A_43 : vector<1000x512xf32>
    %get3A_45 = arith.constant 1 : index
    %get3A_46 = arith.constant 0 : index
    %get3A_47 = arith.constant 0 : index
    %get3A_48 = vector.load %arg4[%get3A_45, %get3A_46, %get3A_47] : memref<4x1x512xf32, #tpu.memory_space<vmem>>, vector<1x1x512xf32>
    %get3A_49 = vector.shape_cast %get3A_48 : vector<1x1x512xf32> to vector<1x512xf32>
    %add3A_50 = vector.broadcast %get3A_49 : vector<1x512xf32> to vector<1000x512xf32>
    %add3A_51 = arith.addf %mul3A_44, %add3A_50 : vector<1000x512xf32>
    %max3A_52 = arith.constant 0.000000e+00 : f32
    %max3A_53 = vector.broadcast %max3A_52 : f32 to vector<1000x512xf32>
    %max3A_54 = arith.maximumf %add3A_51, %max3A_53 : vector<1000x512xf32>
    %convert_element_type3A_55 = arith.truncf %max3A_54 : vector<1000x512xf32> to vector<1000x512xbf16>
    %get3A_56 = arith.constant 1 : index
    %get3A_57 = arith.constant 0 : index
    %get3A_58 = arith.constant 0 : index
    %get3A_59 = vector.load %arg5[%get3A_56, %get3A_57, %get3A_58] : memref<4x512x64xbf16, #tpu.memory_space<vmem>>, vector<1x512x64xbf16>
    %get3A_60 = vector.shape_cast %get3A_59 : vector<1x512x64xbf16> to vector<512x64xbf16>
    %dot_general3A_61 = arith.constant dense<0.000000e+00> : vector<1000x64xf32>
    %dot_general3A_62 = tpu.matmul %convert_element_type3A_55, %get3A_60, %dot_general3A_61 {dimension_numbers = #tpu.dot_dimension_numbers<[1], [0], [0], [1], [0, 0, 1, 1], [], []>, transpose_lhs_hint = false} : vector<1000x512xbf16>, vector<512x64xbf16>, vector<1000x64xf32> -> vector<1000x64xf32>
    %swap3A_63 = arith.constant 0 : index
    %swap3A_64 = arith.constant 64 : index
    %swap3A_65 = vector.load %arg6[%swap3A_63, %swap3A_64] : memref<1000x128xf32, #tpu.memory_space<vmem>>, vector<1000x64xf32>
    tpu.vector_store %arg6[%swap3A_63, %swap3A_64], %dot_general3A_62 {strides = array<i32>} : memref<1000x128xf32, #tpu.memory_space<vmem>>, vector<1000x64xf32>,
    %get3A_66 = arith.constant 2 : index
    %get3A_67 = arith.constant 0 : index
    %get3A_68 = arith.constant 0 : index
    %get3A_69 = vector.load %arg2[%get3A_66, %get3A_67, %get3A_68] : memref<4x256x512xbf16, #tpu.memory_space<vmem>>, vector<1x256x512xbf16>
    %get3A_70 = vector.shape_cast %get3A_69 : vector<1x256x512xbf16> to vector<256x512xbf16>
    %dot_general3A_71 = arith.constant dense<0.000000e+00> : vector<1000x512xf32>
    %dot_general3A_72 = tpu.matmul %get3A_1, %get3A_70, %dot_general3A_71 {dimension_numbers = #tpu.dot_dimension_numbers<[1], [0], [0], [1], [0, 0, 1, 1], [], []>, transpose_lhs_hint = false} : vector<1000x256xbf16>, vector<256x512xbf16>, vector<1000x512xf32> -> vector<1000x512xf32>
    %get3A_73 = arith.constant 2 : index
    %get3A_74 = arith.constant 0 : index
    %get3A_75 = arith.constant 0 : index
    %get3A_76 = vector.load %arg3[%get3A_73, %get3A_74, %get3A_75] : memref<4x1x512xf32, #tpu.memory_space<vmem>>, vector<1x1x512xf32>
    %get3A_77 = vector.shape_cast %get3A_76 : vector<1x1x512xf32> to vector<1x512xf32>
    %mul3A_78 = vector.broadcast %get3A_77 : vector<1x512xf32> to vector<1000x512xf32>
    %mul3A_79 = arith.mulf %dot_general3A_72, %mul3A_78 : vector<1000x512xf32>
    %get3A_80 = arith.constant 2 : index
    %get3A_81 = arith.constant 0 : index
    %get3A_82 = arith.constant 0 : index
    %get3A_83 = vector.load %arg4[%get3A_80, %get3A_81, %get3A_82] : memref<4x1x512xf32, #tpu.memory_space<vmem>>, vector<1x1x512xf32>
    %get3A_84 = vector.shape_cast %get3A_83 : vector<1x1x512xf32> to vector<1x512xf32>
    %add3A_85 = vector.broadcast %get3A_84 : vector<1x512xf32> to vector<1000x512xf32>
    %add3A_86 = arith.addf %mul3A_79, %add3A_85 : vector<1000x512xf32>
    %max3A_87 = arith.constant 0.000000e+00 : f32
    %max3A_88 = vector.broadcast %max3A_87 : f32 to vector<1000x512xf32>
    %max3A_89 = arith.maximumf %add3A_86, %max3A_88 : vector<1000x512xf32>
    %convert_element_type3A_90 = arith.truncf %max3A_89 : vector<1000x512xf32> to vector<1000x512xbf16>
    %get3A_91 = arith.constant 2 : index
    %get3A_92 = arith.constant 0 : index
    %get3A_93 = arith.constant 0 : index
    %get3A_94 = vector.load %arg5[%get3A_91, %get3A_92, %get3A_93] : memref<4x512x64xbf16, #tpu.memory_space<vmem>>, vector<1x512x64xbf16>
    %get3A_95 = vector.shape_cast %get3A_94 : vector<1x512x64xbf16> to vector<512x64xbf16>
    %dot_general3A_96 = arith.constant dense<0.000000e+00> : vector<1000x64xf32>
    %dot_general3A_97 = tpu.matmul %convert_element_type3A_90, %get3A_95, %dot_general3A_96 {dimension_numbers = #tpu.dot_dimension_numbers<[1], [0], [0], [1], [0, 0, 1, 1], [], []>, transpose_lhs_hint = false} : vector<1000x512xbf16>, vector<512x64xbf16>, vector<1000x64xf32> -> vector<1000x64xf32>
    %swap3A_98 = arith.constant 0 : index
    %swap3A_99 = arith.constant 0 : index
    %swap3A_100 = vector.load %arg7[%swap3A_98, %swap3A_99] : memref<1000x128xf32, #tpu.memory_space<vmem>>, vector<1000x64xf32>
    tpu.vector_store %arg7[%swap3A_98, %swap3A_99], %dot_general3A_97 {strides = array<i32>} : memref<1000x128xf32, #tpu.memory_space<vmem>>, vector<1000x64xf32>,
    %get3A_101 = arith.constant 3 : index
    %get3A_102 = arith.constant 0 : index
    %get3A_103 = arith.constant 0 : index
    %get3A_104 = vector.load %arg2[%get3A_101, %get3A_102, %get3A_103] : memref<4x256x512xbf16, #tpu.memory_space<vmem>>, vector<1x256x512xbf16>
    %get3A_105 = vector.shape_cast %get3A_104 : vector<1x256x512xbf16> to vector<256x512xbf16>
    %dot_general3A_106 = arith.constant dense<0.000000e+00> : vector<1000x512xf32>
    %dot_general3A_107 = tpu.matmul %get3A_1, %get3A_105, %dot_general3A_106 {dimension_numbers = #tpu.dot_dimension_numbers<[1], [0], [0], [1], [0, 0, 1, 1], [], []>, transpose_lhs_hint = false} : vector<1000x256xbf16>, vector<256x512xbf16>, vector<1000x512xf32> -> vector<1000x512xf32>
    %get3A_108 = arith.constant 3 : index
    %get3A_109 = arith.constant 0 : index
    %get3A_110 = arith.constant 0 : index
    %get3A_111 = vector.load %arg3[%get3A_108, %get3A_109, %get3A_110] : memref<4x1x512xf32, #tpu.memory_space<vmem>>, vector<1x1x512xf32>
    %get3A_112 = vector.shape_cast %get3A_111 : vector<1x1x512xf32> to vector<1x512xf32>
    %mul3A_113 = vector.broadcast %get3A_112 : vector<1x512xf32> to vector<1000x512xf32>
    %mul3A_114 = arith.mulf %dot_general3A_107, %mul3A_113 : vector<1000x512xf32>
    %get3A_115 = arith.constant 3 : index
    %get3A_116 = arith.constant 0 : index
    %get3A_117 = arith.constant 0 : index
    %get3A_118 = vector.load %arg4[%get3A_115, %get3A_116, %get3A_117] : memref<4x1x512xf32, #tpu.memory_space<vmem>>, vector<1x1x512xf32>
    %get3A_119 = vector.shape_cast %get3A_118 : vector<1x1x512xf32> to vector<1x512xf32>
    %add3A_120 = vector.broadcast %get3A_119 : vector<1x512xf32> to vector<1000x512xf32>
    %add3A_121 = arith.addf %mul3A_114, %add3A_120 : vector<1000x512xf32>
    %max3A_122 = arith.constant 0.000000e+00 : f32
    %max3A_123 = vector.broadcast %max3A_122 : f32 to vector<1000x512xf32>
    %max3A_124 = arith.maximumf %add3A_121, %max3A_123 : vector<1000x512xf32>
    %convert_element_type3A_125 = arith.truncf %max3A_124 : vector<1000x512xf32> to vector<1000x512xbf16>
    %get3A_126 = arith.constant 3 : index
    %get3A_127 = arith.constant 0 : index
    %get3A_128 = arith.constant 0 : index
    %get3A_129 = vector.load %arg5[%get3A_126, %get3A_127, %get3A_128] : memref<4x512x64xbf16, #tpu.memory_space<vmem>>, vector<1x512x64xbf16>
    %get3A_130 = vector.shape_cast %get3A_129 : vector<1x512x64xbf16> to vector<512x64xbf16>
    %dot_general3A_131 = arith.constant dense<0.000000e+00> : vector<1000x64xf32>
    %dot_general3A_132 = tpu.matmul %convert_element_type3A_125, %get3A_130, %dot_general3A_131 {dimension_numbers = #tpu.dot_dimension_numbers<[1], [0], [0], [1], [0, 0, 1, 1], [], []>, transpose_lhs_hint = false} : vector<1000x512xbf16>, vector<512x64xbf16>, vector<1000x64xf32> -> vector<1000x64xf32>
    %swap3A_133 = arith.constant 0 : index
    %swap3A_134 = arith.constant 64 : index
    %swap3A_135 = vector.load %arg7[%swap3A_133, %swap3A_134] : memref<1000x128xf32, #tpu.memory_space<vmem>>, vector<1000x64xf32>
    tpu.vector_store %arg7[%swap3A_133, %swap3A_134], %dot_general3A_132 {strides = array<i32>} : memref<1000x128xf32, #tpu.memory_space<vmem>>, vector<1000x64xf32>,
    return
  }
  func.func @transform_0(%arg0: i32) -> (i32, i32) {
    %c0_i32 = arith.constant 0 : i32
    %c0_i32_0 = arith.constant 0 : i32
    return %arg0, %c0_i32 : i32, i32
  }
  func.func @transform_1(%arg0: i32) -> (i32, i32, i32) {
    %c0_i32 = arith.constant 0 : i32
    %c0_i32_0 = arith.constant 0 : i32
    %c0_i32_1 = arith.constant 0 : i32
    %c0_i32_2 = arith.constant 0 : i32
    return %c0_i32, %c0_i32_0, %c0_i32_1 : i32, i32, i32
  }
  func.func @transform_2(%arg0: i32) -> (i32, i32, i32) {
    %c0_i32 = arith.constant 0 : i32
    %c0_i32_0 = arith.constant 0 : i32
    %c0_i32_1 = arith.constant 0 : i32
    %c0_i32_2 = arith.constant 0 : i32
    return %c0_i32, %c0_i32_0, %c0_i32_1 : i32, i32, i32
  }
  func.func @transform_3(%arg0: i32) -> (i32, i32, i32) {
    %c0_i32 = arith.constant 0 : i32
    %c0_i32_0 = arith.constant 0 : i32
    %c0_i32_1 = arith.constant 0 : i32
    %c0_i32_2 = arith.constant 0 : i32
    return %c0_i32, %c0_i32_0, %c0_i32_1 : i32, i32, i32
  }
  func.func @transform_4(%arg0: i32) -> (i32, i32, i32) {
    %c0_i32 = arith.constant 0 : i32
    %c0_i32_0 = arith.constant 0 : i32
    %c0_i32_1 = arith.constant 0 : i32
    %c0_i32_2 = arith.constant 0 : i32
    return %c0_i32, %c0_i32_0, %c0_i32_1 : i32, i32, i32
  }
  func.func @transform_5(%arg0: i32) -> (i32, i32) {
    %c0_i32 = arith.constant 0 : i32
    %c0_i32_0 = arith.constant 0 : i32
    return %arg0, %c0_i32 : i32, i32
  }
  func.func @transform_6(%arg0: i32) -> (i32, i32) {
    %c0_i32 = arith.constant 0 : i32
    %c0_i32_0 = arith.constant 0 : i32
    return %arg0, %c0_i32 : i32, i32
  }
}

module attributes {stable_mosaic.version = 14 : i64} {
  func.func @_bn2_body(%arg0: i32, %arg1: i32, %arg2: memref<1000x128xf32, #tpu.memory_space<vmem>>, %arg3: memref<1000x128xf32, #tpu.memory_space<vmem>>, %arg4: memref<1000x256xf32, #tpu.memory_space<vmem>>, %arg5: memref<1x256xf32, #tpu.memory_space<vmem>>, %arg6: memref<1x256xf32, #tpu.memory_space<vmem>>, %arg7: memref<1000x256xf32, #tpu.memory_space<vmem>>, %arg8: memref<1x256xf32, #tpu.memory_space<vmem>>, %arg9: memref<1x256xf32, #tpu.memory_space<vmem>>, %arg10: memref<1x256xf32, #tpu.memory_space<vmem>>, %arg11: memref<1x256xf32, #tpu.memory_space<vmem>>) attributes {dimension_semantics = [#tpu.dimension_semantics<arbitrary>, #tpu.dimension_semantics<arbitrary>], iteration_bounds = array<i64: 2, 10>, scalar_prefetch = 0 : i64, scratch_operands = 4 : i64, tpu.core_type = #tpu.core_type<tc>, window_params = [{transform_indices = @transform_0, window_bounds = array<i64: 1000, 128>}, {transform_indices = @transform_1, window_bounds = array<i64: 1000, 128>}, {transform_indices = @transform_2, window_bounds = array<i64: 1000, 256>}, {pipeline_mode = #tpu.pipeline_mode<synchronous>, transform_indices = @transform_3, window_bounds = array<i64: 1, 256>}, {pipeline_mode = #tpu.pipeline_mode<synchronous>, transform_indices = @transform_4, window_bounds = array<i64: 1, 256>}, {transform_indices = @transform_5, window_bounds = array<i64: 1000, 256>}]} {
    %eq3A = arith.constant 0 : i32
    %eq3A_0 = arith.cmpi eq, %arg0, %eq3A : i32
    %eq3A_1 = arith.constant 0 : i32
    %eq3A_2 = arith.cmpi eq, %arg1, %eq3A_1 : i32
    %and3A = arith.andi %eq3A_0, %eq3A_2 : i1
    %convert_element_type3A = arith.extui %and3A : i1 to i32
    %cond3A = arith.constant 0 : i32
    %cond3A_3 = arith.cmpi ne, %convert_element_type3A, %cond3A : i32
    scf.if %cond3A_3 {
      %broadcast_in_dim3A = arith.constant 0.000000e+00 : f32
      %broadcast_in_dim3A_27 = vector.broadcast %broadcast_in_dim3A : f32 to vector<1x256xf32>
      %swap3A = arith.constant 0 : index
      %swap3A_28 = arith.constant 0 : index
      %swap3A_29 = vector.load %arg8[%swap3A, %swap3A_28] : memref<1x256xf32, #tpu.memory_space<vmem>>, vector<1x256xf32>
      tpu.vector_store %arg8[%swap3A, %swap3A_28], %broadcast_in_dim3A_27 {strides = array<i32>} : memref<1x256xf32, #tpu.memory_space<vmem>>, vector<1x256xf32>,
      %broadcast_in_dim3A_30 = arith.constant 0.000000e+00 : f32
      %broadcast_in_dim3A_31 = vector.broadcast %broadcast_in_dim3A_30 : f32 to vector<1x256xf32>
      %swap3A_32 = arith.constant 0 : index
      %swap3A_33 = arith.constant 0 : index
      %swap3A_34 = vector.load %arg9[%swap3A_32, %swap3A_33] : memref<1x256xf32, #tpu.memory_space<vmem>>, vector<1x256xf32>
      tpu.vector_store %arg9[%swap3A_32, %swap3A_33], %broadcast_in_dim3A_31 {strides = array<i32>} : memref<1x256xf32, #tpu.memory_space<vmem>>, vector<1x256xf32>,
    } else {
    }
    %get3A = arith.constant 0 : index
    %get3A_4 = arith.constant 0 : index
    %get3A_5 = vector.load %arg2[%get3A, %get3A_4] : memref<1000x128xf32, #tpu.memory_space<vmem>>, vector<1000x128xf32>
    %get3A_6 = arith.constant 0 : index
    %get3A_7 = arith.constant 0 : index
    %get3A_8 = vector.load %arg3[%get3A_6, %get3A_7] : memref<1000x128xf32, #tpu.memory_space<vmem>>, vector<1000x128xf32>
    %concatenate3A = tpu.concatenate %get3A_5, %get3A_8 in 1 : vector<1000x128xf32>, vector<1000x128xf32> -> vector<1000x256xf32>
    %eq3A_9 = arith.constant 0 : i32
    %eq3A_10 = arith.cmpi eq, %arg0, %eq3A_9 : i32
    %convert_element_type3A_11 = arith.extui %eq3A_10 : i1 to i32
    %cond3A_12 = arith.constant 0 : i32
    %cond3A_13 = arith.cmpi ne, %convert_element_type3A_11, %cond3A_12 : i32
    scf.if %cond3A_13 {
      %get3A_27 = arith.constant 0 : index
      %get3A_28 = arith.constant 0 : index
      %get3A_29 = vector.load %arg8[%get3A_27, %get3A_28] : memref<1x256xf32, #tpu.memory_space<vmem>>, vector<1x256xf32>
      %reduce_sum3A = arith.constant dense<0.000000e+00> : vector<256xf32>
      %reduce_sum3A_30 = vector.multi_reduction <add>, %concatenate3A, %reduce_sum3A [0] : vector<1000x256xf32> to vector<256xf32>
      %broadcast_in_dim3A = vector.shape_cast %reduce_sum3A_30 : vector<256xf32> to vector<1x256xf32>
      %add3A = arith.addf %get3A_29, %broadcast_in_dim3A : vector<1x256xf32>
      %swap3A = arith.constant 0 : index
      %swap3A_31 = arith.constant 0 : index
      %swap3A_32 = vector.load %arg8[%swap3A, %swap3A_31] : memref<1x256xf32, #tpu.memory_space<vmem>>, vector<1x256xf32>
      tpu.vector_store %arg8[%swap3A, %swap3A_31], %add3A {strides = array<i32>} : memref<1x256xf32, #tpu.memory_space<vmem>>, vector<1x256xf32>,
      %get3A_33 = arith.constant 0 : index
      %get3A_34 = arith.constant 0 : index
      %get3A_35 = vector.load %arg9[%get3A_33, %get3A_34] : memref<1x256xf32, #tpu.memory_space<vmem>>, vector<1x256xf32>
      %mul3A = arith.mulf %concatenate3A, %concatenate3A : vector<1000x256xf32>
      %reduce_sum3A_36 = arith.constant dense<0.000000e+00> : vector<256xf32>
      %reduce_sum3A_37 = vector.multi_reduction <add>, %mul3A, %reduce_sum3A_36 [0] : vector<1000x256xf32> to vector<256xf32>
      %broadcast_in_dim3A_38 = vector.shape_cast %reduce_sum3A_37 : vector<256xf32> to vector<1x256xf32>
      %add3A_39 = arith.addf %get3A_35, %broadcast_in_dim3A_38 : vector<1x256xf32>
      %swap3A_40 = arith.constant 0 : index
      %swap3A_41 = arith.constant 0 : index
      %swap3A_42 = vector.load %arg9[%swap3A_40, %swap3A_41] : memref<1x256xf32, #tpu.memory_space<vmem>>, vector<1x256xf32>
      tpu.vector_store %arg9[%swap3A_40, %swap3A_41], %add3A_39 {strides = array<i32>} : memref<1x256xf32, #tpu.memory_space<vmem>>, vector<1x256xf32>,
    } else {
    }
    %eq3A_14 = arith.constant 0 : i32
    %eq3A_15 = arith.cmpi eq, %arg0, %eq3A_14 : i32
    %eq3A_16 = arith.constant 9 : i32
    %eq3A_17 = arith.cmpi eq, %arg1, %eq3A_16 : i32
    %and3A_18 = arith.andi %eq3A_15, %eq3A_17 : i1
    %convert_element_type3A_19 = arith.extui %and3A_18 : i1 to i32
    %cond3A_20 = arith.constant 0 : i32
    %cond3A_21 = arith.cmpi ne, %convert_element_type3A_19, %cond3A_20 : i32
    scf.if %cond3A_21 {
      %get3A_27 = arith.constant 0 : index
      %get3A_28 = arith.constant 0 : index
      %get3A_29 = vector.load %arg8[%get3A_27, %get3A_28] : memref<1x256xf32, #tpu.memory_space<vmem>>, vector<1x256xf32>
      %div3A = arith.constant 1.000000e+04 : f32
      %div3A_30 = vector.broadcast %div3A : f32 to vector<1x256xf32>
      %div3A_31 = arith.divf %get3A_29, %div3A_30 : vector<1x256xf32>
      %get3A_32 = arith.constant 0 : index
      %get3A_33 = arith.constant 0 : index
      %get3A_34 = vector.load %arg9[%get3A_32, %get3A_33] : memref<1x256xf32, #tpu.memory_space<vmem>>, vector<1x256xf32>
      %div3A_35 = arith.constant 1.000000e+04 : f32
      %div3A_36 = vector.broadcast %div3A_35 : f32 to vector<1x256xf32>
      %div3A_37 = arith.divf %get3A_34, %div3A_36 : vector<1x256xf32>
      %mul3A = arith.mulf %div3A_31, %div3A_31 : vector<1x256xf32>
      %sub3A = arith.subf %div3A_37, %mul3A : vector<1x256xf32>
      %add3A = arith.constant 9.99999974E-6 : f32
      %add3A_38 = vector.broadcast %add3A : f32 to vector<1x256xf32>
      %add3A_39 = arith.addf %sub3A, %add3A_38 : vector<1x256xf32>
      %rsqrt3A = math.rsqrt %add3A_39 : vector<1x256xf32>
      %get3A_40 = arith.constant 0 : index
      %get3A_41 = arith.constant 0 : index
      %get3A_42 = vector.load %arg5[%get3A_40, %get3A_41] : memref<1x256xf32, #tpu.memory_space<vmem>>, vector<1x256xf32>
      %mul3A_43 = arith.mulf %get3A_42, %rsqrt3A : vector<1x256xf32>
      %swap3A = arith.constant 0 : index
      %swap3A_44 = arith.constant 0 : index
      %swap3A_45 = vector.load %arg10[%swap3A, %swap3A_44] : memref<1x256xf32, #tpu.memory_space<vmem>>, vector<1x256xf32>
      tpu.vector_store %arg10[%swap3A, %swap3A_44], %mul3A_43 {strides = array<i32>} : memref<1x256xf32, #tpu.memory_space<vmem>>, vector<1x256xf32>,
      %get3A_46 = arith.constant 0 : index
      %get3A_47 = arith.constant 0 : index
      %get3A_48 = vector.load %arg6[%get3A_46, %get3A_47] : memref<1x256xf32, #tpu.memory_space<vmem>>, vector<1x256xf32>
      %get3A_49 = arith.constant 0 : index
      %get3A_50 = arith.constant 0 : index
      %get3A_51 = vector.load %arg5[%get3A_49, %get3A_50] : memref<1x256xf32, #tpu.memory_space<vmem>>, vector<1x256xf32>
      %mul3A_52 = arith.mulf %div3A_31, %get3A_51 : vector<1x256xf32>
      %mul3A_53 = arith.mulf %mul3A_52, %rsqrt3A : vector<1x256xf32>
      %sub3A_54 = arith.subf %get3A_48, %mul3A_53 : vector<1x256xf32>
      %swap3A_55 = arith.constant 0 : index
      %swap3A_56 = arith.constant 0 : index
      %swap3A_57 = vector.load %arg11[%swap3A_55, %swap3A_56] : memref<1x256xf32, #tpu.memory_space<vmem>>, vector<1x256xf32>
      tpu.vector_store %arg11[%swap3A_55, %swap3A_56], %sub3A_54 {strides = array<i32>} : memref<1x256xf32, #tpu.memory_space<vmem>>, vector<1x256xf32>,
    } else {
    }
    %eq3A_22 = arith.constant 1 : i32
    %eq3A_23 = arith.cmpi eq, %arg0, %eq3A_22 : i32
    %convert_element_type3A_24 = arith.extui %eq3A_23 : i1 to i32
    %cond3A_25 = arith.constant 0 : i32
    %cond3A_26 = arith.cmpi ne, %convert_element_type3A_24, %cond3A_25 : i32
    scf.if %cond3A_26 {
      %get3A_27 = arith.constant 0 : index
      %get3A_28 = arith.constant 0 : index
      %get3A_29 = vector.load %arg4[%get3A_27, %get3A_28] : memref<1000x256xf32, #tpu.memory_space<vmem>>, vector<1000x256xf32>
      %get3A_30 = arith.constant 0 : index
      %get3A_31 = arith.constant 0 : index
      %get3A_32 = vector.load %arg10[%get3A_30, %get3A_31] : memref<1x256xf32, #tpu.memory_space<vmem>>, vector<1x256xf32>
      %mul3A = vector.broadcast %get3A_32 : vector<1x256xf32> to vector<1000x256xf32>
      %mul3A_33 = arith.mulf %concatenate3A, %mul3A : vector<1000x256xf32>
      %get3A_34 = arith.constant 0 : index
      %get3A_35 = arith.constant 0 : index
      %get3A_36 = vector.load %arg11[%get3A_34, %get3A_35] : memref<1x256xf32, #tpu.memory_space<vmem>>, vector<1x256xf32>
      %add3A = vector.broadcast %get3A_36 : vector<1x256xf32> to vector<1000x256xf32>
      %add3A_37 = arith.addf %mul3A_33, %add3A : vector<1000x256xf32>
      %max3A = arith.constant 0.000000e+00 : f32
      %max3A_38 = vector.broadcast %max3A : f32 to vector<1000x256xf32>
      %max3A_39 = arith.maximumf %add3A_37, %max3A_38 : vector<1000x256xf32>
      %add3A_40 = arith.addf %get3A_29, %max3A_39 : vector<1000x256xf32>
      %swap3A = arith.constant 0 : index
      %swap3A_41 = arith.constant 0 : index
      %swap3A_42 = vector.load %arg7[%swap3A, %swap3A_41] : memref<1000x256xf32, #tpu.memory_space<vmem>>, vector<1000x256xf32>
      tpu.vector_store %arg7[%swap3A, %swap3A_41], %add3A_40 {strides = array<i32>} : memref<1000x256xf32, #tpu.memory_space<vmem>>, vector<1000x256xf32>,
    } else {
    }
    return
  }
  func.func @transform_0(%arg0: i32, %arg1: i32) -> (i32, i32) {
    %c0_i32 = arith.constant 0 : i32
    %c0_i32_0 = arith.constant 0 : i32
    return %arg1, %c0_i32 : i32, i32
  }
  func.func @transform_1(%arg0: i32, %arg1: i32) -> (i32, i32) {
    %c0_i32 = arith.constant 0 : i32
    %c0_i32_0 = arith.constant 0 : i32
    return %arg1, %c0_i32 : i32, i32
  }
  func.func @transform_2(%arg0: i32, %arg1: i32) -> (i32, i32) {
    %c0_i32 = arith.constant 0 : i32
    %c0_i32_0 = arith.constant 0 : i32
    return %arg1, %c0_i32 : i32, i32
  }
  func.func @transform_3(%arg0: i32, %arg1: i32) -> (i32, i32) {
    %c0_i32 = arith.constant 0 : i32
    %c0_i32_0 = arith.constant 0 : i32
    %c0_i32_1 = arith.constant 0 : i32
    return %c0_i32, %c0_i32_0 : i32, i32
  }
  func.func @transform_4(%arg0: i32, %arg1: i32) -> (i32, i32) {
    %c0_i32 = arith.constant 0 : i32
    %c0_i32_0 = arith.constant 0 : i32
    %c0_i32_1 = arith.constant 0 : i32
    return %c0_i32, %c0_i32_0 : i32, i32
  }
  func.func @transform_5(%arg0: i32, %arg1: i32) -> (i32, i32) {
    %c0_i32 = arith.constant 0 : i32
    %c0_i32_0 = arith.constant 0 : i32
    return %arg1, %c0_i32 : i32, i32
  }
}

</mosaic_0001>

<sc_bundles>
// kernel: kernel.6.cloned.1.call-start
scs
__scs_entry_jumppad:
0x0: {  	(pc) =	sbr.rel $0x88, $3  }
0x1: {  	(tag) =	ssettag $0x0;
	lr =	simm.s32 $0x1  }
0x2: {  	[smem:$0x3F98] =	sst lr;
	_ =	strace $0xD0000000  }
0x3: {  	_ = 	snop  }
0x4: {  	_ = 	snop  }
0x5: {  	_ = 	snop  }
0x6: {  	_ = 	snop  }
0x7: {  	_ = 	snop  }
__scs_overlays_trampoline_lowered:
0x8: {  	[smem:$0x3FA7] =	sst s0  }
0x9: {  	[smem:$0x3FA8] =	sst s1  }
0xa: {  	[smem:$0x3FA9] =	sst s2  }
0xb: {  	[smem:$0x3FAA] =	sst s3  }
0xc: {  	[smem:$0x3FAB] =	sst s4  }
0xd: {  	[smem:$0x3FAC] =	sst s5  }
0xe: {  	[smem:$0x3FAD] =	sst s6  }
0xf: {  	[smem:$0x3FAE] =	sst s7  }
0x10: {  	[smem:$0x3FAF] =	sst s8  }
0x11: {  	[smem:$0x3FB0] =	sst s9;
	s0 =	simm.s32 @!p0 $0x0  }
0x12: {  	s1 =	sld [smem:$0x3F96];
	s0 =	simm.s32 @p0 $0x1  }
0x13: {  	[smem:$0x3FB1] =	sst s0;
	s0 =	simm.s32 @!p1 $0x0  }
0x14: {  	s2 =	sld [smem:$0x3F95];
	s0 =	simm.s32 @p1 $0x1  }
0x15: {  	[smem:$0x3FB2] =	sst s0;
	s0 =	simm.s32 @!p2 $0x0  }
0x16: {  	s3 =	sld [smem:$0x3FDB];
	s0 =	simm.s32 @p2 $0x1  }
0x17: {  	s4 =	simm.s32 $0x1BF5;
	[smem:$0x3FB4] =	sst s0  }
0x18: {  	s0 =	sld [smem:$0x3F97];
	_ =	swait.ge [sflag:s4], $0x0  }
0x19: {  	s7 =	sld [smem:$0x3F98]  }
0x1a: {  	s8 =	sadd.s32 $0xFFFFE003, lr  }
0x1b: {  	s9 =	sadd.s32 $0xFFFFFEF7, lr;
	s5 =	simm.s32 $0xFFFFFFFF;
	p2 =	slt.u32 s8, $0xFFFFF086  }
0x1c: {  	p1 =	slt.u32 s9, $0xF7A;
	s5 =	simm.s32 @!p2 $0x0  }
0x1d: {  	s5 =	simm.s32 @p1 $0x1;
	p0 =	seq.s32 s7, s2  }
0x1e: {  	s7 =	smul.u32 @!p0 $0xF7A, s2;
	p2 =	seq.s32 @!p0 s5, $0x0  }
0x1f: {  	s9 =	smul.u32 $0xF7A, s1;
	s8 =	simm.s32 @!p0 $0x1BF5;
	p2 =	por !p2, p0  }
0x20: {  	[sflag:s8] =	ssyncset.s32 @!p0 $0xFFFFF086;
	s6 =	sadd.s32 @!p0 s3, s7;
	s7 =	simm.s32 @!p0 $0x108  }
0x21: {  	s3 =	sadd.s32 s3, s9;
	s6 =	sadd.s32 @!p0 $0x88, s6;
	s7 =	simm.s32 @p2 $0x1082  }
0x22: {  	[simem:s7], [sflag:s8] =	dma.local @!p0 [hbm:s6], $0xF7A  }
0x23: {  	s9 =	sor.u32 $0xD0000000, s2;
	s6 =	simm.s32 $0x108;
	_ =	swait.ge @!p0 [sflag:s8], $0x0  }
0x24: {  	s3 =	sadd.s32 $0x88, s3;
	s6 =	simm.s32 @!p1 $0x1082;
	[sflag:s4] =	ssyncset.s32 $0xFFFFF086  }
0x25: {  	[simem:s6], [sflag:s4] =	dma.local [hbm:s3], $0xF7A  }
0x26: {  	[smem:$0x3F98] =	sst s1;
	(tag) =	ssettag s2;
	_ =	strace s9  }
0x27: {  	s1 =	sld [smem:$0x3FA8]  }
0x28: {  	s2 =	sld [smem:$0x3FA9]  }
0x29: {  	s4 =	sld [smem:$0x3FAB]  }
0x2a: {  	p0 =	seq.s32 s5, $0x0;
	s5 =	sld [smem:$0x3FAC]  }
0x2b: {  	s6 =	sld [smem:$0x3FAD]  }
0x2c: {  	s7 =	sld [smem:$0x3FAE]  }
0x2d: {  	s3 =	simm.s32 $0x108;
	s8 =	sld [smem:$0x3FAF]  }
0x2e: {  	s3 =	simm.s32 @!p0 $0x1082;
	s9 =	sld [smem:$0x3FB0]  }
0x2f: {  	lr =	sadd.s32 s0, s3;
	s0 =	sld [smem:$0x3FA7]  }
0x30: {  	s3 =	sld [smem:$0x3FAA]  }
0x31: {  	[smem:$0x3FB3] =	sst s10  }
0x32: {  	s10 =	sld [smem:$0x3FB1];
	_ =	sdelay $0x3  }
0x33: {  	p0 =	seq.s32 s10, $0x1;
	s10 =	sld [smem:$0x3FB3];
	_ =	sdelay $0x3  }
0x34: {  	[smem:$0x3FB3] =	sst s10  }
0x35: {  	s10 =	sld [smem:$0x3FB2];
	_ =	sdelay $0x3  }
0x36: {  	p1 =	seq.s32 s10, $0x1;
	s10 =	sld [smem:$0x3FB3];
	_ =	sdelay $0x3  }
0x37: {  	[smem:$0x3FB3] =	sst s10  }
0x38: {  	s10 =	sld [smem:$0x3FB4]  }
0x39: {  	_ = 	snop;
	(pc) =	sbr.ind lr, $3  }
0x3a: {  	_ = 	snop  }
0x3b: {  	_ = 	snop  }
0x3c: {  	p2 =	seq.s32 s10, $0x1;
	s10 =	sld [smem:$0x3FB3]  }
0x3d: {  	_ =	shalt  }
0x3e: {  	_ =	shalt  }
0x3f: {  	_ =	shalt  }
0x40: {  	_ =	shalt  }
0x41: {  	_ =	shalt  }
0x42: {  	_ =	shalt  }
0x43: {  	_ =	shalt  }
0x44: {  	_ =	shalt  }
0x45: {  	_ =	shalt  }
0x46: {  	_ =	shalt  }
0x47: {  	_ =	shalt  }
0x48: {  	_ =	shalt  }
0x49: {  	_ =	shalt  }
0x4a: {  	_ =	shalt  }
0x4b: {  	_ =	shalt  }
0x4c: {  	_ =	shalt  }
0x4d: {  	_ =	shalt  }
0x4e: {  	_ =	shalt  }
0x4f: {  	_ =	shalt  }
0x50: {  	_ =	shalt  }
0x51: {  	_ =	shalt  }
0x52: {  	_ =	shalt  }
0x53: {  	_ =	shalt  }
0x54: {  	_ =	shalt  }
0x55: {  	_ =	shalt  }
0x56: {  	_ =	shalt  }
0x57: {  	_ =	shalt  }
0x58: {  	_ =	shalt  }
0x59: {  	_ =	shalt  }
0x5a: {  	_ =	shalt  }
0x5b: {  	_ =	shalt  }
0x5c: {  	_ =	shalt  }
0x5d: {  	_ =	shalt  }
0x5e: {  	_ =	shalt  }
0x5f: {  	_ =	shalt  }
0x60: {  	_ =	shalt  }
0x61: {  	_ =	shalt  }
0x62: {  	_ =	shalt  }
0x63: {  	_ =	shalt  }
0x64: {  	_ =	shalt  }
0x65: {  	_ =	shalt  }
0x66: {  	_ =	shalt  }
0x67: {  	_ =	shalt  }
0x68: {  	_ =	shalt  }
0x69: {  	_ =	shalt  }
0x6a: {  	_ =	shalt  }
0x6b: {  	_ =	shalt  }
0x6c: {  	_ =	shalt  }
0x6d: {  	_ =	shalt  }
0x6e: {  	_ =	shalt  }
0x6f: {  	_ =	shalt  }
0x70: {  	_ =	shalt  }
0x71: {  	_ =	shalt  }
0x72: {  	_ =	shalt  }
0x73: {  	_ =	shalt  }
0x74: {  	_ =	shalt  }
0x75: {  	_ =	shalt  }
0x76: {  	_ =	shalt  }
0x77: {  	_ =	shalt  }
0x78: {  	_ =	shalt  }
0x79: {  	_ =	shalt  }
0x7a: {  	_ =	shalt  }
0x7b: {  	_ =	shalt  }
0x7c: {  	_ =	shalt  }
0x7d: {  	_ =	shalt  }
0x7e: {  	_ =	shalt  }
0x7f: {  	_ =	shalt  }
0x80: {  	_ =	shalt  }
0x81: {  	_ =	shalt  }
0x82: {  	_ =	shalt  }
0x83: {  	_ =	shalt  }
0x84: {  	_ =	shalt  }
0x85: {  	_ =	shalt  }
0x86: {  	_ =	shalt  }
0x87: {  	_ =	shalt  }
.Lfunc_end0:
.L_simem_size_0:
called_computation_lowered:
.L_overlay_start_0:
0x88: {  	s2 =	sld [smem:$0x3FD9]  }
0x89: {  	s3 =	sld [smem:$0x3FFE];
	_ =	sdelay $0x1  }
0x8a: {  	s1 =	srdreg.scid  }
0x8b: {  	s0 =	sand.u32 $0x1, s1  }
0x8c: {  	s14 =	sshll.u32 s0, $0xA;
	s2 =	sadd.s32 s3, s2  }
0x8d: {  	s2 =	sadd.s32 s2, s14  }
0x8e: {  	[smem:$0x3FBF] =	sst s2  }
0x8f: {  	_ = 	snop  }
0x90: {  	s2 =	sld [smem:$0x3FD0];
	_ =	sdelay $0x2  }
0x91: {  	s15 =	simm.s32 $0xA;
	s4 =	simm.s32 $0x10  }
0x92: {  	[smem:s4], [sflag:s15] =	dma.local [hbm:s2], $0x1  }
0x93: {  	_ =	swait.eq [sflag:s15], $0x1  }
0x94: {  	[sflag:s15] =	ssyncset.done $0x0  }
0x95: {  	s16 =	sld [smem:$0x10];
	[sflag:s15] =	ssyncadd.s32 $0xFFFFFFFF  }
0x96: {  	s17 =	sld [smem:$0x11];
	(tm) =	ssettm $0x1  }
0x97: {  	s18 =	sld [smem:$0x3FFB];
	_ =	sdelay $0x3  }
0x98: {  	_ =	strace s18  }
0x99: {  	s4 =	sld [smem:$0x3FFC];
	_ =	sdelay $0x3  }
0x9a: {  	_ =	strace s4  }
0x9b: {  	s4 =	sld [smem:$0x3FFD];
	_ =	sdelay $0x3  }
0x9c: {  	_ =	strace s4  }
0x9d: {  	_ =	strace $0x8FFFFFFF  }
0x9e: {  	s19 =	sld [smem:$0x3FDB];
	_ =	sdelay $0x1  }
0x9f: {  	s5 =	simm.s32 $_scs_section_size  }
0xa0: {  	s6 =	simm.s32 $_size__tile_overlayer_lowered;
	s7 =	simm.s32 $_tile_overlayer_lowered  }
0xa1: {  	s22 =	simm.s32 $0x1BFF;
	s21 =	sshll.u32 s7, $0x1;
	s4 =	sadd.s32 s5, s19  }
0xa2: {  	s8 =	simm.s32 $0x0;
	s20 =	sshll.u32 s6, $0x1;
	s6 =	sadd.s32 s21, s4  }
0xa3: {  	[timem:s8], [sflag:s22] =	dma.local [hbm:s6], s20  }
0xa4: {  	_ =	swait.ge [sflag:s22], s20  }
0xa5: {  	s5 =	ssub.s32 $0x0, s20;
	[sflag:s22] =	ssyncset.done $0x0  }
0xa6: {  	[sflag:s22] =	ssyncadd.s32 s5;
	_ =	sdelay $0x1  }
0xa7: {  	s23 =	simm.s32 $0x1B8B  }
0xa8: {  	_ =	swait.ge [sflag:s23], $0x1  }
0xa9: {  	[sflag:s23] =	ssyncset.done $0x0  }
0xaa: {  	s25 =	simm.s32 $0x1B8E;
	s24 =	sld [smem:$0x3FFE];
	[sflag:s23] =	ssyncadd.s32 $0xFFFFFFFF  }
0xab: {  	s26 =	simm.s32 $execute0_lowered;
	[smem:$0x3FD2] =	sst s25  }
0xac: {  	s6 =	sshll.u32 s26, $0x1;
	_ =	strace $0x80000046;
	[dreg:$0x1] =	wrdreg $0xFFFFFFFF  }
0xad: {  	s28 =	simm.s32 $_size_execute0_lowered;
	s4 =	sadd.s32 s4, s6;
	[dreg:$0x0] =	wrdreg $0x0  }
0xae: {  	s6 =	sshll.u32 s28, $0x1;
	[dreg:$0x2] =	wrdreg s4  }
0xaf: {  	[dreg:$0x3] =	wrdreg s6  }
0xb0: {  	[dreg:$0x4] =	wrdreg $0xC0  }
0xb1: {  	_ =	task [dreg:s8], $0x5FFFF  }
0xb2: {  	[dreg:$0x1] =	wrdreg $0xFFFFFFFF  }
0xb3: {  	[dreg:$0x0] =	wrdreg $0x60  }
0xb4: {  	[dreg:$0x2] =	wrdreg s17  }
0xb5: {  	[dreg:$0x3] =	wrdreg s16  }
0xb6: {  	[dreg:$0x4] =	wrdreg s24  }
0xb7: {  	[dreg:$0x5] =	wrdreg $0x90000  }
0xb8: {  	[dreg:$0x6] =	wrdreg $0x9  }
0xb9: {  	_ =	task.clear_ibuf [dreg:s8], $0x7FFFF;
	_ =	strace $0x90000046  }
0xba: {  	s29 =	simm.s32 $0x9;
	_ =	strace $0x80000048  }
0xbb: {  	_ =	swait.ge [sflag:s29], $0x1  }
0xbc: {  	[sflag:s29] =	ssyncadd.s32 $0xFFFFFFFF  }
0xbd: {  	_ =	strace $0x90000048  }
0xbe: {  	_ =	sfence  }
0xbf: {  	s30 =	sld [smem:$0x0];
	_ =	sdelay $0x2  }
0xc0: {  	s31 =	sshll.u32 s1, $0xD;
	s1 =	sshrl.u32 s1, $0x2  }
0xc1: {  	s3 =	sand.u32 $0x4000, s31;
	s1 =	sadd.s32 s1, s30  }
0xc2: {  	s0 =	sor.u32 s3, s0;
	s1 =	sshll.u32 s1, $0x11  }
0xc3: {  	s0 =	sor.u32 s1, s0  }
0xc4: {  	s0 =	sadd.s32 $0x8F2B, s0  }
0xc5: {  	[sflag:s0] =	ssyncadd.remote.s32 $0x1  }
0xc6: {  	_ =	sfence.sel $0xFFFF  }
0xc7: {  	[dreg:$0x0] =	wrdreg $0xFFFFFFFF;
	(pc) =	sbr.abs _section_cstart, $3  }
0xc8: {  	[dreg:$0x1] =	wrdreg $0xFFFFFFFF  }
0xc9: {  	_ =	task.clear_ibuf [dreg:s8], $0x2FFFF;
	_ =	strace $0x9FFFFFFF  }
0xca: {  	(tm) =	ssettm $0x7FFFFFFF  }
0xcb: {  	_ =	shalt  }
tec
execute0_lowered:
.L_overlay_start_1:
0x0: {  	(tag) =	ssettag $0x1  }
0x1: {  	s1 =	rddreg [dreg:$0x0]  }
0x2: {  	s2 =	rddreg [dreg:$0x1]  }
0x3: {  	s0 =	rddreg [dreg:$0x2]  }
0x4: {  	s4 =	rddreg [dreg:$0x3];
	s5 =	simm.s32 $0x0  }
0x5: {  	s12 =	stileid.u32;
	s7 =	srdreg.scid;
	s18 =	simm.s32 $0x3  }
0x6: {  	s14 =	simm.s32 $0x100;
	s13 =	simm.s32 $0x880;
	s17 =	simm.s32 $0x900  }
0x7: {  	s28 =	simm.s32 $0x280;
	s29 =	simm.s32 $0xA00;
	s3 =	smul.u32 $0x500, s12  }
0x8: {  	s30 =	simm.s32 $0x300;
	s31 =	simm.s32 $0x480;
	s6 =	smul.u32 $0x2780, s12  }
0x9: {  	[smem:$0x7FF] =	sst s5;
	s7 =	sand.u32 $0x1, s7;
	s8 =	smul.u32 $0x50000, s12  }
0xa: {  	s9 =	sadd.s32 $0xD000, s0;
	s11 =	smul.u32 $0x4F000, s12;
	s20 =	sshll.u32 s12, $0x6  }
0xb: {  	s23 =	sadd.s32 $0x128400, s4;
	s24 =	sadd.s32 $0x34880, s0;
	p1 =	seq.s32 s12, $0xF  }
0xc: {  	s12 =	simm.s32 $0xB80;
	_ =	strace $0x80000047;
	[dreg:$0x5] =	wrdreg s9  }
0xd: {  	s19 =	ssub.s32 $0x2, s7;
	p0 =	seq.s32 s7, $0x1;
	[dreg:$0x9] =	wrdreg s23  }
0xe: {  	[dreg:$0xa] =	wrdreg s24;
	s23 =	simm.s32 $0x5000;
	s24 =	simm.s32 $0x2  }
0xf: {  	s3 =	sadd.s32 s3, s0;
	s6 =	sadd.s32 s6, s0;
	s10 =	sshrl.u32 s19, $0x1  }
0x10: {  	s8 =	sshrl.u32 s8, $0x2;
	s21 =	sshrl.u32 s11, $0x2;
	s0 =	sadd.s32 $0x5BA80, s0  }
0x11: {  	s11 =	simm.s32 $0x400;
	s9 =	ssub.s32 s19, s10;
	s8 =	sadd.s32 s8, s4  }
0x12: {  	s10 =	sor.u32 $0x1C03, s20;
	s7 =	sadd.s32 s21, s4;
	s22 =	sadd.s32 $0xF800, s6  }
0x13: {  	s6 =	sadd.s32 $0x36A00, s6;
	[dreg:$0xc] =	wrdreg s0;
	s15 =	sadd.s32 $0x8000, s3  }
0x14: {  	s16 =	sadd.s32 $0x3000, s3;
	s19 =	simm.s32 $0x800;
	s20 =	simm.s32 $0x80  }
0x15: {  	s21 =	simm.s32 $0x1000;
	s0 =	simm.s32 $0xA80;
	[dreg:$0x7] =	wrdreg s7  }
.Ltmp0:
0x16: {  	s3 =	simm.s32 $0x380;
	[dreg:$0x8] =	wrdreg s22;
	(pc) =	sbr.rel .LBB2_1-.Ltmp0, $4  }
0x17: {  	[dreg:$0xb] =	wrdreg s6;
	s25 =	smax.u32 s9, $0x1;
	s26 =	sshrl.u32 s8, $0x3  }
0x18: {  	s22 =	simm.s32 $0x1;
	s7 =	simm.s32 $0x180;
	[dreg:$0x6] =	wrdreg s10  }
0x19: {  	s9 =	simm.s32 $0xB00;
	s8 =	simm.s32 $0x0;
	[dreg:$0xd] =	wrdreg s25  }
0x1a: {  	[dreg:$0xe] =	wrdreg s26;
	s25 =	simm.s32 $0x200;
	s26 =	simm.s32 $0x980  }
.LBB2_7:
0x1b: {  	s6 =	sadd.s32 s13, s16;
	[sflag:s18] =	ssyncadd.s32 $0xFFFFC000  }
0x1c: {  	[tilespmem:s5], [sflag:$0x3] =	stream.linear.gather [hbm4b:s6+s5], $0x800, $0x38;
	[tilespmem:$0x1D000] =	vst v63  }
0x1d: {  	_ =	swait.ge [sflag:s18], $0x800  }
0x1e: {  	[sflag:s18] =	ssyncset.done $0x0  }
0x1f: {  	s13 =	sadd.s32 s13, s15;
	[sflag:s18] =	ssyncadd.s32 $0xFFFFF800  }
0x20: {  	[tilespmem:s19], [sflag:$0x3] =	stream.linear.gather [hbm4b:s13+s5], $0x800, $0x38;
	[tilespmem:$0x1D000] =	vst v63  }
0x21: {  	_ =	swait.ge [sflag:s18], $0x800  }
0x22: {  	[sflag:s18] =	ssyncset.done $0x0  }
0x23: {  	[sflag:s18] =	ssyncadd.s32 $0xFFFFF800  }
0x24: {  	[tilespmem:s21], [sflag:$0x1] =	stream.indirect.gather [hbm4b:s2+s20], $0x80, s5, s20, $0xb8;
	[tilespmem:$0x1D000] =	vst v63  }
0x25: {  	_ =	swait.ge [sflag:s22], $0x4000  }
0x26: {  	[sflag:s22] =	ssyncset.done $0x0  }
0x27: {  	[sflag:s22] =	ssyncadd.s32 $0xFFFFC000  }
0x28: {  	[tilespmem:s23], [sflag:$0x2] =	stream.indirect.gather [hbm4b:s2+s20], $0x80, s20, s20, $0xb8;
	[tilespmem:$0x1D000] =	vst v63  }
0x29: {  	_ = 	snop  }
0x2a: {  	[spmem:s4] =	stream.indirect.scatter.add.f32 [tilespmem:s21], [sflag:$0x3], $0x80, s19, s20, $0xb8;
	[tilespmem:$0x1D000] =	vst v63  }
0x2b: {  	_ =	swait.ge [sflag:s18], $0x4000  }
0x2c: {  	[sflag:s18] =	ssyncset.done $0x0  }
0x2d: {  	[sflag:s18] =	ssyncadd.s32 $0xFFFFC000  }
0x2e: {  	_ =	swait.ge [sflag:s24], $0x4000  }
0x2f: {  	[sflag:s24] =	ssyncset.done $0x0  }
0x30: {  	[sflag:s24] =	ssyncadd.s32 $0xFFFFC000  }
0x31: {  	[tilespmem:s21], [sflag:$0x1] =	stream.indirect.gather [hbm4b:s2+s20], $0x80, s14, s20, $0xb8;
	[tilespmem:$0x1D000] =	vst v63  }
0x32: {  	_ = 	snop  }
0x33: {  	[spmem:s4] =	stream.indirect.scatter.add.f32 [tilespmem:s23], [sflag:$0x3], $0x80, s17, s20, $0xb8;
	[tilespmem:$0x1D000] =	vst v63  }
0x34: {  	_ =	swait.ge [sflag:s18], $0x4000  }
0x35: {  	[sflag:s18] =	ssyncset.done $0x0  }
0x36: {  	[sflag:s18] =	ssyncadd.s32 $0xFFFFC000  }
0x37: {  	_ =	swait.ge [sflag:s22], $0x4000  }
0x38: {  	[sflag:s22] =	ssyncset.done $0x0  }
0x39: {  	[sflag:s22] =	ssyncadd.s32 $0xFFFFC000  }
0x3a: {  	[tilespmem:s23], [sflag:$0x2] =	stream.indirect.gather [hbm4b:s2+s20], $0x80, s7, s20, $0xb8;
	[tilespmem:$0x1D000] =	vst v63  }
0x3b: {  	_ = 	snop  }
0x3c: {  	[spmem:s4] =	stream.indirect.scatter.add.f32 [tilespmem:s21], [sflag:$0x3], $0x80, s25, s20, $0xb8;
	[tilespmem:$0x1D000] =	vst v63  }
0x3d: {  	_ =	swait.ge [sflag:s18], $0x4000  }
0x3e: {  	[sflag:s18] =	ssyncset.done $0x0  }
0x3f: {  	[sflag:s18] =	ssyncadd.s32 $0xFFFFC000  }
0x40: {  	_ =	swait.ge [sflag:s24], $0x4000  }
0x41: {  	[sflag:s24] =	ssyncset.done $0x0  }
0x42: {  	[sflag:s24] =	ssyncadd.s32 $0xFFFFC000  }
0x43: {  	[tilespmem:s21], [sflag:$0x1] =	stream.indirect.gather [hbm4b:s2+s20], $0x80, s26, s20, $0xb8;
	[tilespmem:$0x1D000] =	vst v63  }
0x44: {  	_ = 	snop  }
0x45: {  	[spmem:s4] =	stream.indirect.scatter.add.f32 [tilespmem:s23], [sflag:$0x3], $0x80, s28, s20, $0xb8;
	[tilespmem:$0x1D000] =	vst v63  }
0x46: {  	_ =	swait.ge [sflag:s18], $0x4000  }
0x47: {  	[sflag:s18] =	ssyncset.done $0x0  }
0x48: {  	[sflag:s18] =	ssyncadd.s32 $0xFFFFC000  }
0x49: {  	_ =	swait.ge [sflag:s22], $0x4000  }
0x4a: {  	[sflag:s22] =	ssyncset.done $0x0  }
0x4b: {  	[sflag:s22] =	ssyncadd.s32 $0xFFFFC000  }
0x4c: {  	[tilespmem:s23], [sflag:$0x2] =	stream.indirect.gather [hbm4b:s2+s20], $0x80, s29, s20, $0xb8;
	[tilespmem:$0x1D000] =	vst v63  }
0x4d: {  	_ = 	snop  }
0x4e: {  	[spmem:s4] =	stream.indirect.scatter.add.f32 [tilespmem:s21], [sflag:$0x3], $0x80, s30, s20, $0xb8;
	[tilespmem:$0x1D000] =	vst v63  }
0x4f: {  	_ =	swait.ge [sflag:s18], $0x4000  }
0x50: {  	[sflag:s18] =	ssyncset.done $0x0  }
0x51: {  	[sflag:s18] =	ssyncadd.s32 $0xFFFFC000  }
0x52: {  	_ =	swait.ge [sflag:s24], $0x4000  }
0x53: {  	[sflag:s24] =	ssyncset.done $0x0  }
0x54: {  	[sflag:s24] =	ssyncadd.s32 $0xFFFFC000  }
0x55: {  	[tilespmem:s21], [sflag:$0x1] =	stream.indirect.gather [hbm4b:s2+s20], $0x80, s31, s20, $0xb8;
	[tilespmem:$0x1D000] =	vst v63  }
0x56: {  	_ = 	snop  }
0x57: {  	[spmem:s4] =	stream.indirect.scatter.add.f32 [tilespmem:s23], [sflag:$0x3], $0x80, s0, s20, $0xb8;
	[tilespmem:$0x1D000] =	vst v63  }
0x58: {  	_ =	swait.ge [sflag:s18], $0x4000  }
0x59: {  	[sflag:s18] =	ssyncset.done $0x0  }
0x5a: {  	[sflag:s18] =	ssyncadd.s32 $0xFFFFC000  }
0x5b: {  	_ =	swait.ge [sflag:s22], $0x4000  }
0x5c: {  	[sflag:s22] =	ssyncset.done $0x0  }
0x5d: {  	[sflag:s22] =	ssyncadd.s32 $0xFFFFC000  }
0x5e: {  	[tilespmem:s23], [sflag:$0x2] =	stream.indirect.gather [hbm4b:s2+s20], $0x80, s3, s20, $0xb8;
	[tilespmem:$0x1D000] =	vst v63  }
0x5f: {  	_ = 	snop  }
0x60: {  	[spmem:s4] =	stream.indirect.scatter.add.f32 [tilespmem:s21], [sflag:$0x3], $0x80, s9, s20, $0xb8;
	[tilespmem:$0x1D000] =	vst v63  }
0x61: {  	_ =	swait.ge [sflag:s18], $0x4000  }
0x62: {  	[sflag:s18] =	ssyncset.done $0x0  }
0x63: {  	[sflag:s18] =	ssyncadd.s32 $0xFFFFC000  }
0x64: {  	_ =	swait.ge [sflag:s24], $0x4000  }
0x65: {  	[sflag:s24] =	ssyncset.done $0x0  }
0x66: {  	[sflag:s24] =	ssyncadd.s32 $0xFFFFC000  }
0x67: {  	[tilespmem:s21], [sflag:$0x1] =	stream.indirect.gather [hbm4b:s2+s20], $0x80, s11, s20, $0xb8;
	[tilespmem:$0x1D000] =	vst v63  }
0x68: {  	_ = 	snop  }
0x69: {  	[spmem:s4] =	stream.indirect.scatter.add.f32 [tilespmem:s23], [sflag:$0x3], $0x80, s12, s20, $0xb8;
	[tilespmem:$0x1D000] =	vst v63  }
0x6a: {  	_ =	swait.ge [sflag:s18], $0x4000  }
0x6b: {  	[sflag:s18] =	ssyncset.done $0x0  }
0x6c: {  	[sflag:s18] =	ssyncadd.s32 $0xFFFFC000  }
0x6d: {  	_ =	swait.ge [sflag:s22], $0x4000  }
0x6e: {  	[sflag:s22] =	ssyncset.done $0x0  }
0x6f: {  	s25 =	simm.s32 $0x480;
	[sflag:s22] =	ssyncadd.s32 $0xFFFFC000  }
0x70: {  	[tilespmem:s23], [sflag:$0x2] =	stream.indirect.gather [hbm4b:s2+s20], $0x80, s25, s20, $0xb8;
	[tilespmem:$0x1D000] =	vst v63  }
0x71: {  	_ = 	snop  }
0x72: {  	[spmem:s4] =	stream.indirect.scatter.add.f32 [tilespmem:s21], [sflag:$0x3], $0x80, s10, s20, $0xb8;
	[tilespmem:$0x1D000] =	vst v63  }
0x73: {  	_ =	swait.ge [sflag:s18], $0x4000  }
0x74: {  	[sflag:s18] =	ssyncset.done $0x0  }
0x75: {  	[sflag:s18] =	ssyncadd.s32 $0xFFFFC000  }
0x76: {  	_ =	swait.ge [sflag:s24], $0x4000  }
0x77: {  	[sflag:s24] =	ssyncset.done $0x0  }
0x78: {  	s26 =	simm.s32 $0x500;
	[sflag:s24] =	ssyncadd.s32 $0xFFFFC000  }
0x79: {  	[tilespmem:s21], [sflag:$0x1] =	stream.indirect.gather [hbm4b:s2+s20], $0x80, s26, s20, $0xb8;
	[tilespmem:$0x1D000] =	vst v63  }
0x7a: {  	s3 =	simm.s32 $0xC80  }
0x7b: {  	[spmem:s4] =	stream.indirect.scatter.add.f32 [tilespmem:s23], [sflag:$0x3], $0x80, s3, s20, $0xb8;
	[tilespmem:$0x1D000] =	vst v63  }
0x7c: {  	_ =	swait.ge [sflag:s18], $0x4000  }
0x7d: {  	[sflag:s18] =	ssyncset.done $0x0  }
0x7e: {  	[sflag:s18] =	ssyncadd.s32 $0xFFFFC000  }
0x7f: {  	_ =	swait.ge [sflag:s22], $0x4000  }
0x80: {  	[sflag:s22] =	ssyncset.done $0x0  }
0x81: {  	s6 =	simm.s32 $0x580;
	[sflag:s22] =	ssyncadd.s32 $0xFFFFC000  }
0x82: {  	[tilespmem:s23], [sflag:$0x2] =	stream.indirect.gather [hbm4b:s2+s20], $0x80, s6, s20, $0xb8;
	[tilespmem:$0x1D000] =	vst v63  }
0x83: {  	s7 =	simm.s32 $0xD00  }
0x84: {  	[spmem:s4] =	stream.indirect.scatter.add.f32 [tilespmem:s21], [sflag:$0x3], $0x80, s7, s20, $0xb8;
	[tilespmem:$0x1D000] =	vst v63  }
0x85: {  	_ =	swait.ge [sflag:s18], $0x4000  }
0x86: {  	[sflag:s18] =	ssyncset.done $0x0  }
0x87: {  	[sflag:s18] =	ssyncadd.s32 $0xFFFFC000  }
0x88: {  	_ =	swait.ge [sflag:s24], $0x4000  }
0x89: {  	[sflag:s24] =	ssyncset.done $0x0  }
0x8a: {  	s8 =	simm.s32 $0x600;
	[sflag:s24] =	ssyncadd.s32 $0xFFFFC000  }
0x8b: {  	[tilespmem:s21], [sflag:$0x1] =	stream.indirect.gather [hbm4b:s2+s20], $0x80, s8, s20, $0xb8;
	[tilespmem:$0x1D000] =	vst v63  }
0x8c: {  	s9 =	simm.s32 $0xD80  }
0x8d: {  	[spmem:s4] =	stream.indirect.scatter.add.f32 [tilespmem:s23], [sflag:$0x3], $0x80, s9, s20, $0xb8;
	[tilespmem:$0x1D000] =	vst v63  }
0x8e: {  	_ =	swait.ge [sflag:s18], $0x4000  }
0x8f: {  	[sflag:s18] =	ssyncset.done $0x0  }
0x90: {  	[sflag:s18] =	ssyncadd.s32 $0xFFFFC000  }
0x91: {  	_ =	swait.ge [sflag:s22], $0x4000  }
0x92: {  	[sflag:s22] =	ssyncset.done $0x0  }
0x93: {  	s10 =	simm.s32 $0x680;
	[sflag:s22] =	ssyncadd.s32 $0xFFFFC000  }
0x94: {  	[tilespmem:s23], [sflag:$0x2] =	stream.indirect.gather [hbm4b:s2+s20], $0x80, s10, s20, $0xb8;
	[tilespmem:$0x1D000] =	vst v63  }
0x95: {  	s11 =	simm.s32 $0xE00  }
0x96: {  	[spmem:s4] =	stream.indirect.scatter.add.f32 [tilespmem:s21], [sflag:$0x3], $0x80, s11, s20, $0xb8;
	[tilespmem:$0x1D000] =	vst v63  }
0x97: {  	_ =	swait.ge [sflag:s18], $0x4000  }
0x98: {  	[sflag:s18] =	ssyncset.done $0x0  }
0x99: {  	[sflag:s18] =	ssyncadd.s32 $0xFFFFC000  }
0x9a: {  	_ =	swait.ge [sflag:s24], $0x4000  }
0x9b: {  	[sflag:s24] =	ssyncset.done $0x0  }
0x9c: {  	s12 =	simm.s32 $0x700;
	[sflag:s24] =	ssyncadd.s32 $0xFFFFC000  }
0x9d: {  	[tilespmem:s21], [sflag:$0x1] =	stream.indirect.gather [hbm4b:s2+s20], $0x80, s12, s20, $0xb8;
	[tilespmem:$0x1D000] =	vst v63  }
0x9e: {  	s13 =	simm.s32 $0xE80  }
0x9f: {  	[spmem:s4] =	stream.indirect.scatter.add.f32 [tilespmem:s23], [sflag:$0x3], $0x80, s13, s20, $0xb8;
	[tilespmem:$0x1D000] =	vst v63  }
0xa0: {  	_ =	swait.ge [sflag:s18], $0x4000  }
0xa1: {  	[sflag:s18] =	ssyncset.done $0x0  }
0xa2: {  	[sflag:s18] =	ssyncadd.s32 $0xFFFFC000  }
0xa3: {  	_ =	swait.ge [sflag:s22], $0x4000  }
0xa4: {  	[sflag:s22] =	ssyncset.done $0x0  }
0xa5: {  	s17 =	simm.s32 $0x780;
	[sflag:s22] =	ssyncadd.s32 $0xFFFFC000  }
0xa6: {  	[tilespmem:s23], [sflag:$0x2] =	stream.indirect.gather [hbm4b:s2+s20], $0x80, s17, s20, $0xb8;
	[tilespmem:$0x1D000] =	vst v63  }
0xa7: {  	s25 =	simm.s32 $0xF00  }
0xa8: {  	[spmem:s4] =	stream.indirect.scatter.add.f32 [tilespmem:s21], [sflag:$0x3], $0x80, s25, s20, $0xb8;
	[tilespmem:$0x1D000] =	vst v63  }
0xa9: {  	_ =	swait.ge [sflag:s18], $0x4000  }
0xaa: {  	[sflag:s18] =	ssyncset.done $0x0  }
0xab: {  	[sflag:s18] =	ssyncadd.s32 $0xFFFFC000  }
0xac: {  	_ =	swait.ge [sflag:s24], $0x4000  }
0xad: {  	[sflag:s24] =	ssyncset.done $0x0  }
0xae: {  	s26 =	simm.s32 $0xF80;
	[sflag:s24] =	ssyncadd.s32 $0xFFFFC000  }
0xaf: {  	[spmem:s4] =	stream.indirect.scatter.add.f32 [tilespmem:s23], [sflag:$0x3], $0x80, s26, s20, $0xb8;
	[tilespmem:$0x1D000] =	vst v63  }
0xb0: {  	_ =	swait.ge [sflag:s18], $0x4000  }
0xb1: {  	[sflag:s18] =	ssyncset.done $0x0  }
0xb2: {  	[sflag:s18] =	ssyncadd.s32 $0xFFFFC000  }
0xb3: {  	[bflag:$0x0] =	sbarrier.arrive $0xFFFF  }
0xb4: {  	s10 =	rddreg [dreg:$0x6]  }
0xb5: {  	s6 =	rddreg [dreg:$0xc]  }
0xb6: {  	s28 =	simm.s32 $0x280;
	s0 =	rddreg [dreg:$0x11]  }
0xb7: {  	[hbm:s6], [sflag:s10] =	dma.local @p1 [spmem:s0], $0x2080  }
0xb8: {  	s29 =	simm.s32 $0xA00;
	s30 =	simm.s32 $0x300;
	s6 =	simm.s32 @p1 $0x3  }
0xb9: {  	s31 =	simm.s32 $0x480;
	s3 =	simm.s32 $0x380;
	_ =	swait.ge @p1 [sflag:s6], $0x2080  }
0xba: {  	s7 =	simm.s32 $0x180;
	[sflag:s6] =	ssyncset.done @p1 $0x0;
	s0 =	rddreg [dreg:$0x10]  }
0xbb: {  	s9 =	simm.s32 $0xB00;
	[sflag:s6] =	ssyncadd.s32 @p1 $0xFFFFDF80;
	s6 =	rddreg [dreg:$0xb]  }
0xbc: {  	[hbm:s6], [sflag:s10] =	dma.local @!p1 [spmem:s0], $0x2780  }
0xbd: {  	s11 =	simm.s32 $0x400;
	s12 =	simm.s32 $0xB80;
	s6 =	simm.s32 @!p1 $0x3  }
0xbe: {  	s13 =	simm.s32 $0x880;
	s17 =	simm.s32 $0x900;
	_ =	swait.ge @!p1 [sflag:s6], $0x2780  }
0xbf: {  	s25 =	simm.s32 $0x200;
	s26 =	simm.s32 $0x980;
	[sflag:s6] =	ssyncset.done @!p1 $0x0  }
0xc0: {  	s0 =	simm.s32 $0xA80;
	s8 =	rddreg [dreg:$0xf];
	[sflag:s6] =	ssyncadd.s32 @!p1 $0xFFFFD880  }
.LBB2_8:
0xc1: {  	s8 =	sadd.s32 $0x1, s8;
	s6 =	rddreg [dreg:$0xd]  }
0xc2: {  	p2 =	sne.s32 s8, s6  }
.Ltmp1:
0xc3: {  	_ = 	snop;
	(pc) =	sbr.rel @!p2 .LBB2_9-.Ltmp1, $1  }
0xc4: {  	_ =	sdelay $0x3  }
.LBB2_1:
0xc5: {  	[dreg:$0xf] =	wrdreg s8  }
0xc6: {  	s6 =	rddreg [dreg:$0x5]  }
0xc7: {  	s8 =	rddreg [dreg:$0xe]  }
0xc8: {  	[spmem:s8], [sflag:s10] =	dma.local [hbm:s6], $0x2800  }
0xc9: {  	_ =	swait.ge [sflag:s18], $0x2800  }
0xca: {  	[sflag:s18] =	ssyncset.done $0x0  }
0xcb: {  	[sflag:s18] =	ssyncadd.s32 $0xFFFFD800  }
0xcc: {  	[bflag:$0x0] =	sbarrier.arrive $0xFFFF  }
0xcd: {  	s6 =	rddreg [dreg:$0x9]  }
.Ltmp2:
0xce: {  	s6 =	sshrl.u32 @p1 s6, $0x3;
	(pc) =	sbr.rel @!p0 .LBB2_2-.Ltmp2, $4  }
0xcf: {  	[dreg:$0x11] =	wrdreg s6  }
0xd0: {  	s6 =	rddreg [dreg:$0x7]  }
0xd1: {  	s6 =	sshrl.u32 @!p1 s6, $0x3  }
0xd2: {  	[dreg:$0x10] =	wrdreg s6;
	s6 =	sadd.s32 $0x0, s16  }
0xd3: {  	[tilespmem:s5], [sflag:$0x3] =	stream.linear.gather [hbm4b:s6+s5], $0x800, $0x38;
	[tilespmem:$0x1D000] =	vst v63  }
0xd4: {  	_ =	swait.ge [sflag:s18], $0x800  }
0xd5: {  	[sflag:s18] =	ssyncset.done $0x0  }
0xd6: {  	s10 =	sadd.s32 $0x0, s15;
	[sflag:s18] =	ssyncadd.s32 $0xFFFFF800  }
0xd7: {  	[tilespmem:s19], [sflag:$0x3] =	stream.linear.gather [hbm4b:s10+s5], $0x800, $0x38;
	[tilespmem:$0x1D000] =	vst v63  }
0xd8: {  	_ =	swait.ge [sflag:s18], $0x800  }
0xd9: {  	[sflag:s18] =	ssyncset.done $0x0  }
0xda: {  	[sflag:s18] =	ssyncadd.s32 $0xFFFFF800  }
0xdb: {  	[tilespmem:s21], [sflag:$0x1] =	stream.indirect.gather [hbm4b:s2+s20], $0x80, s5, s20, $0xb8;
	[tilespmem:$0x1D000] =	vst v63  }
0xdc: {  	_ =	swait.ge [sflag:s22], $0x4000  }
0xdd: {  	[sflag:s22] =	ssyncset.done $0x0  }
0xde: {  	[sflag:s22] =	ssyncadd.s32 $0xFFFFC000  }
0xdf: {  	[tilespmem:s23], [sflag:$0x2] =	stream.indirect.gather [hbm4b:s2+s20], $0x80, s20, s20, $0xb8;
	[tilespmem:$0x1D000] =	vst v63  }
0xe0: {  	_ = 	snop  }
0xe1: {  	[spmem:s4] =	stream.indirect.scatter.add.f32 [tilespmem:s21], [sflag:$0x3], $0x80, s19, s20, $0xb8;
	[tilespmem:$0x1D000] =	vst v63  }
0xe2: {  	_ =	swait.ge [sflag:s18], $0x4000  }
0xe3: {  	[sflag:s18] =	ssyncset.done $0x0  }
0xe4: {  	[sflag:s18] =	ssyncadd.s32 $0xFFFFC000  }
0xe5: {  	_ =	swait.ge [sflag:s24], $0x4000  }
0xe6: {  	[sflag:s24] =	ssyncset.done $0x0  }
0xe7: {  	[sflag:s24] =	ssyncadd.s32 $0xFFFFC000  }
0xe8: {  	[tilespmem:s21], [sflag:$0x1] =	stream.indirect.gather [hbm4b:s2+s20], $0x80, s14, s20, $0xb8;
	[tilespmem:$0x1D000] =	vst v63  }
0xe9: {  	_ = 	snop  }
0xea: {  	[spmem:s4] =	stream.indirect.scatter.add.f32 [tilespmem:s23], [sflag:$0x3], $0x80, s13, s20, $0xb8;
	[tilespmem:$0x1D000] =	vst v63  }
0xeb: {  	_ =	swait.ge [sflag:s18], $0x4000  }
0xec: {  	[sflag:s18] =	ssyncset.done $0x0  }
0xed: {  	[sflag:s18] =	ssyncadd.s32 $0xFFFFC000  }
0xee: {  	_ =	swait.ge [sflag:s22], $0x4000  }
0xef: {  	[sflag:s22] =	ssyncset.done $0x0  }
0xf0: {  	[sflag:s22] =	ssyncadd.s32 $0xFFFFC000  }
0xf1: {  	[tilespmem:s23], [sflag:$0x2] =	stream.indirect.gather [hbm4b:s2+s20], $0x80, s7, s20, $0xb8;
	[tilespmem:$0x1D000] =	vst v63  }
0xf2: {  	_ = 	snop  }
0xf3: {  	[spmem:s4] =	stream.indirect.scatter.add.f32 [tilespmem:s21], [sflag:$0x3], $0x80, s17, s20, $0xb8;
	[tilespmem:$0x1D000] =	vst v63  }
0xf4: {  	_ =	swait.ge [sflag:s18], $0x4000  }
0xf5: {  	[sflag:s18] =	ssyncset.done $0x0  }
0xf6: {  	[sflag:s18] =	ssyncadd.s32 $0xFFFFC000  }
0xf7: {  	_ =	swait.ge [sflag:s24], $0x4000  }
0xf8: {  	[sflag:s24] =	ssyncset.done $0x0  }
0xf9: {  	[sflag:s24] =	ssyncadd.s32 $0xFFFFC000  }
0xfa: {  	[tilespmem:s21], [sflag:$0x1] =	stream.indirect.gather [hbm4b:s2+s20], $0x80, s25, s20, $0xb8;
	[tilespmem:$0x1D000] =	vst v63  }
0xfb: {  	_ = 	snop  }
0xfc: {  	[spmem:s4] =	stream.indirect.scatter.add.f32 [tilespmem:s23], [sflag:$0x3], $0x80, s26, s20, $0xb8;
	[tilespmem:$0x1D000] =	vst v63  }
0xfd: {  	_ =	swait.ge [sflag:s18], $0x4000  }
0xfe: {  	[sflag:s18] =	ssyncset.done $0x0  }
0xff: {  	[sflag:s18] =	ssyncadd.s32 $0xFFFFC000  }
0x100: {  	_ =	swait.ge [sflag:s22], $0x4000  }
0x101: {  	[sflag:s22] =	ssyncset.done $0x0  }
0x102: {  	[sflag:s22] =	ssyncadd.s32 $0xFFFFC000  }
0x103: {  	[tilespmem:s23], [sflag:$0x2] =	stream.indirect.gather [hbm4b:s2+s20], $0x80, s28, s20, $0xb8;
	[tilespmem:$0x1D000] =	vst v63  }
0x104: {  	_ = 	snop  }
0x105: {  	[spmem:s4] =	stream.indirect.scatter.add.f32 [tilespmem:s21], [sflag:$0x3], $0x80, s29, s20, $0xb8;
	[tilespmem:$0x1D000] =	vst v63  }
0x106: {  	_ =	swait.ge [sflag:s18], $0x4000  }
0x107: {  	[sflag:s18] =	ssyncset.done $0x0  }
0x108: {  	[sflag:s18] =	ssyncadd.s32 $0xFFFFC000  }
0x109: {  	_ =	swait.ge [sflag:s24], $0x4000  }
0x10a: {  	[sflag:s24] =	ssyncset.done $0x0  }
0x10b: {  	[sflag:s24] =	ssyncadd.s32 $0xFFFFC000  }
0x10c: {  	[tilespmem:s21], [sflag:$0x1] =	stream.indirect.gather [hbm4b:s2+s20], $0x80, s30, s20, $0xb8;
	[tilespmem:$0x1D000] =	vst v63  }
0x10d: {  	_ = 	snop  }
0x10e: {  	[spmem:s4] =	stream.indirect.scatter.add.f32 [tilespmem:s23], [sflag:$0x3], $0x80, s0, s20, $0xb8;
	[tilespmem:$0x1D000] =	vst v63  }
0x10f: {  	_ =	swait.ge [sflag:s18], $0x4000  }
0x110: {  	[sflag:s18] =	ssyncset.done $0x0  }
0x111: {  	[sflag:s18] =	ssyncadd.s32 $0xFFFFC000  }
0x112: {  	_ =	swait.ge [sflag:s22], $0x4000  }
0x113: {  	[sflag:s22] =	ssyncset.done $0x0  }
0x114: {  	[sflag:s22] =	ssyncadd.s32 $0xFFFFC000  }
0x115: {  	[tilespmem:s23], [sflag:$0x2] =	stream.indirect.gather [hbm4b:s2+s20], $0x80, s3, s20, $0xb8;
	[tilespmem:$0x1D000] =	vst v63  }
0x116: {  	_ = 	snop  }
0x117: {  	[spmem:s4] =	stream.indirect.scatter.add.f32 [tilespmem:s21], [sflag:$0x3], $0x80, s9, s20, $0xb8;
	[tilespmem:$0x1D000] =	vst v63  }
0x118: {  	_ =	swait.ge [sflag:s18], $0x4000  }
0x119: {  	[sflag:s18] =	ssyncset.done $0x0  }
0x11a: {  	[sflag:s18] =	ssyncadd.s32 $0xFFFFC000  }
0x11b: {  	_ =	swait.ge [sflag:s24], $0x4000  }
0x11c: {  	[sflag:s24] =	ssyncset.done $0x0  }
0x11d: {  	[sflag:s24] =	ssyncadd.s32 $0xFFFFC000  }
0x11e: {  	[tilespmem:s21], [sflag:$0x1] =	stream.indirect.gather [hbm4b:s2+s20], $0x80, s11, s20, $0xb8;
	[tilespmem:$0x1D000] =	vst v63  }
0x11f: {  	_ = 	snop  }
0x120: {  	[spmem:s4] =	stream.indirect.scatter.add.f32 [tilespmem:s23], [sflag:$0x3], $0x80, s12, s20, $0xb8;
	[tilespmem:$0x1D000] =	vst v63  }
0x121: {  	_ =	swait.ge [sflag:s18], $0x4000  }
0x122: {  	[sflag:s18] =	ssyncset.done $0x0  }
0x123: {  	[sflag:s18] =	ssyncadd.s32 $0xFFFFC000  }
0x124: {  	_ =	swait.ge [sflag:s22], $0x4000  }
0x125: {  	[sflag:s22] =	ssyncset.done $0x0  }
0x126: {  	[sflag:s22] =	ssyncadd.s32 $0xFFFFC000  }
0x127: {  	[tilespmem:s23], [sflag:$0x2] =	stream.indirect.gather [hbm4b:s2+s20], $0x80, s31, s20, $0xb8;
	[tilespmem:$0x1D000] =	vst v63  }
0x128: {  	s26 =	simm.s32 $0xC00  }
0x129: {  	[spmem:s4] =	stream.indirect.scatter.add.f32 [tilespmem:s21], [sflag:$0x3], $0x80, s26, s20, $0xb8;
	[tilespmem:$0x1D000] =	vst v63  }
0x12a: {  	_ =	swait.ge [sflag:s18], $0x4000  }
0x12b: {  	[sflag:s18] =	ssyncset.done $0x0  }
0x12c: {  	[sflag:s18] =	ssyncadd.s32 $0xFFFFC000  }
0x12d: {  	_ =	swait.ge [sflag:s24], $0x4000  }
0x12e: {  	[sflag:s24] =	ssyncset.done $0x0  }
0x12f: {  	s3 =	simm.s32 $0x500;
	[sflag:s24] =	ssyncadd.s32 $0xFFFFC000  }
0x130: {  	[tilespmem:s21], [sflag:$0x1] =	stream.indirect.gather [hbm4b:s2+s20], $0x80, s3, s20, $0xb8;
	[tilespmem:$0x1D000] =	vst v63  }
0x131: {  	s6 =	simm.s32 $0xC80  }
0x132: {  	[spmem:s4] =	stream.indirect.scatter.add.f32 [tilespmem:s23], [sflag:$0x3], $0x80, s6, s20, $0xb8;
	[tilespmem:$0x1D000] =	vst v63  }
0x133: {  	_ =	swait.ge [sflag:s18], $0x4000  }
0x134: {  	[sflag:s18] =	ssyncset.done $0x0  }
0x135: {  	[sflag:s18] =	ssyncadd.s32 $0xFFFFC000  }
0x136: {  	_ =	swait.ge [sflag:s22], $0x4000  }
0x137: {  	[sflag:s22] =	ssyncset.done $0x0  }
0x138: {  	s7 =	simm.s32 $0x580;
	[sflag:s22] =	ssyncadd.s32 $0xFFFFC000  }
0x139: {  	[tilespmem:s23], [sflag:$0x2] =	stream.indirect.gather [hbm4b:s2+s20], $0x80, s7, s20, $0xb8;
	[tilespmem:$0x1D000] =	vst v63  }
0x13a: {  	s8 =	simm.s32 $0xD00  }
0x13b: {  	[spmem:s4] =	stream.indirect.scatter.add.f32 [tilespmem:s21], [sflag:$0x3], $0x80, s8, s20, $0xb8;
	[tilespmem:$0x1D000] =	vst v63  }
0x13c: {  	_ =	swait.ge [sflag:s18], $0x4000  }
0x13d: {  	[sflag:s18] =	ssyncset.done $0x0  }
0x13e: {  	[sflag:s18] =	ssyncadd.s32 $0xFFFFC000  }
0x13f: {  	_ =	swait.ge [sflag:s24], $0x4000  }
0x140: {  	[sflag:s24] =	ssyncset.done $0x0  }
0x141: {  	s9 =	simm.s32 $0x600;
	[sflag:s24] =	ssyncadd.s32 $0xFFFFC000  }
0x142: {  	[tilespmem:s21], [sflag:$0x1] =	stream.indirect.gather [hbm4b:s2+s20], $0x80, s9, s20, $0xb8;
	[tilespmem:$0x1D000] =	vst v63  }
0x143: {  	s10 =	simm.s32 $0xD80  }
0x144: {  	[spmem:s4] =	stream.indirect.scatter.add.f32 [tilespmem:s23], [sflag:$0x3], $0x80, s10, s20, $0xb8;
	[tilespmem:$0x1D000] =	vst v63  }
0x145: {  	_ =	swait.ge [sflag:s18], $0x4000  }
0x146: {  	[sflag:s18] =	ssyncset.done $0x0  }
0x147: {  	[sflag:s18] =	ssyncadd.s32 $0xFFFFC000  }
0x148: {  	_ =	swait.ge [sflag:s22], $0x4000  }
0x149: {  	[sflag:s22] =	ssyncset.done $0x0  }
0x14a: {  	s11 =	simm.s32 $0x680;
	[sflag:s22] =	ssyncadd.s32 $0xFFFFC000  }
0x14b: {  	[tilespmem:s23], [sflag:$0x2] =	stream.indirect.gather [hbm4b:s2+s20], $0x80, s11, s20, $0xb8;
	[tilespmem:$0x1D000] =	vst v63  }
0x14c: {  	s12 =	simm.s32 $0xE00  }
0x14d: {  	[spmem:s4] =	stream.indirect.scatter.add.f32 [tilespmem:s21], [sflag:$0x3], $0x80, s12, s20, $0xb8;
	[tilespmem:$0x1D000] =	vst v63  }
0x14e: {  	_ =	swait.ge [sflag:s18], $0x4000  }
0x14f: {  	[sflag:s18] =	ssyncset.done $0x0  }
0x150: {  	[sflag:s18] =	ssyncadd.s32 $0xFFFFC000  }
0x151: {  	_ =	swait.ge [sflag:s24], $0x4000  }
0x152: {  	[sflag:s24] =	ssyncset.done $0x0  }
0x153: {  	s13 =	simm.s32 $0x700;
	[sflag:s24] =	ssyncadd.s32 $0xFFFFC000  }
0x154: {  	[tilespmem:s21], [sflag:$0x1] =	stream.indirect.gather [hbm4b:s2+s20], $0x80, s13, s20, $0xb8;
	[tilespmem:$0x1D000] =	vst v63  }
0x155: {  	s14 =	simm.s32 $0xE80  }
0x156: {  	[spmem:s4] =	stream.indirect.scatter.add.f32 [tilespmem:s23], [sflag:$0x3], $0x80, s14, s20, $0xb8;
	[tilespmem:$0x1D000] =	vst v63  }
0x157: {  	_ =	swait.ge [sflag:s18], $0x4000  }
0x158: {  	[sflag:s18] =	ssyncset.done $0x0  }
0x159: {  	[sflag:s18] =	ssyncadd.s32 $0xFFFFC000  }
0x15a: {  	_ =	swait.ge [sflag:s22], $0x4000  }
0x15b: {  	[sflag:s22] =	ssyncset.done $0x0  }
0x15c: {  	s17 =	simm.s32 $0x780;
	[sflag:s22] =	ssyncadd.s32 $0xFFFFC000  }
0x15d: {  	[tilespmem:s23], [sflag:$0x2] =	stream.indirect.gather [hbm4b:s2+s20], $0x80, s17, s20, $0xb8;
	[tilespmem:$0x1D000] =	vst v63  }
0x15e: {  	s25 =	simm.s32 $0xF00  }
0x15f: {  	[spmem:s4] =	stream.indirect.scatter.add.f32 [tilespmem:s21], [sflag:$0x3], $0x80, s25, s20, $0xb8;
	[tilespmem:$0x1D000] =	vst v63  }
0x160: {  	s28 =	simm.s32 $0x980;
	s29 =	simm.s32 $0x280;
	_ =	swait.ge [sflag:s18], $0x4000  }
0x161: {  	s30 =	simm.s32 $0xA00;
	s0 =	simm.s32 $0xA80;
	[sflag:s18] =	ssyncset.done $0x0  }
0x162: {  	s31 =	simm.s32 $0x300;
	s26 =	simm.s32 $0xF80;
	[sflag:s18] =	ssyncadd.s32 $0xFFFFC000  }
0x163: {  	s3 =	simm.s32 $0x380;
	s7 =	simm.s32 $0x180;
	_ =	swait.ge [sflag:s24], $0x4000  }
0x164: {  	s8 =	simm.s32 $0x200;
	s9 =	simm.s32 $0xB00;
	[sflag:s24] =	ssyncset.done $0x0  }
0x165: {  	s11 =	simm.s32 $0x400;
	s12 =	simm.s32 $0xB80;
	[sflag:s24] =	ssyncadd.s32 $0xFFFFC000  }
0x166: {  	[spmem:s4] =	stream.indirect.scatter.add.f32 [tilespmem:s23], [sflag:$0x3], $0x80, s26, s20, $0xb8;
	[tilespmem:$0x1D000] =	vst v63  }
0x167: {  	s13 =	simm.s32 $0x100;
	s17 =	simm.s32 $0x880;
	_ =	swait.ge [sflag:s18], $0x4000  }
0x168: {  	s25 =	simm.s32 $0x900;
	s26 =	simm.s32 $0x200;
	[sflag:s18] =	ssyncset.done $0x0  }
.LBB2_6:
0x169: {  	s10 =	sadd.s32 s13, s16  }
0x16a: {  	[sflag:s18] =	ssyncadd.s32 $0xFFFFC000;
	s14 =	smov.u32 s8;
	s6 =	sadd.s32 $0x100, s8  }
0x16b: {  	[tilespmem:s5], [sflag:$0x3] =	stream.linear.gather [hbm4b:s10+s5], $0x800, $0x38;
	[tilespmem:$0x1D000] =	vst v63  }
0x16c: {  	s10 =	simm.s32 $0xC00  }
0x16d: {  	p2 =	sne.s32 s8, $0x400;
	_ =	swait.ge [sflag:s18], $0x800  }
0x16e: {  	s8 =	sadd.s32 s13, s15;
	[sflag:s18] =	ssyncset.done $0x0  }
0x16f: {  	s13 =	smov.u32 s14;
	s14 =	simm.s32 $0x100;
	[sflag:s18] =	ssyncadd.s32 $0xFFFFF800  }
0x170: {  	[tilespmem:s19], [sflag:$0x3] =	stream.linear.gather [hbm4b:s8+s5], $0x800, $0x38;
	[tilespmem:$0x1D000] =	vst v63  }
0x171: {  	_ =	swait.ge [sflag:s18], $0x800  }
0x172: {  	[sflag:s18] =	ssyncset.done $0x0  }
0x173: {  	[sflag:s18] =	ssyncadd.s32 $0xFFFFF800  }
0x174: {  	[tilespmem:s21], [sflag:$0x1] =	stream.indirect.gather [hbm4b:s2+s20], $0x80, s5, s20, $0xb8;
	[tilespmem:$0x1D000] =	vst v63  }
0x175: {  	_ =	swait.ge [sflag:s22], $0x4000  }
0x176: {  	[sflag:s22] =	ssyncset.done $0x0  }
0x177: {  	[sflag:s22] =	ssyncadd.s32 $0xFFFFC000  }
0x178: {  	[tilespmem:s23], [sflag:$0x2] =	stream.indirect.gather [hbm4b:s2+s20], $0x80, s20, s20, $0xb8;
	[tilespmem:$0x1D000] =	vst v63  }
0x179: {  	_ = 	snop  }
0x17a: {  	[spmem:s4] =	stream.indirect.scatter.add.f32 [tilespmem:s21], [sflag:$0x3], $0x80, s19, s20, $0xb8;
	[tilespmem:$0x1D000] =	vst v63  }
0x17b: {  	_ =	swait.ge [sflag:s18], $0x4000  }
0x17c: {  	[sflag:s18] =	ssyncset.done $0x0  }
0x17d: {  	[sflag:s18] =	ssyncadd.s32 $0xFFFFC000  }
0x17e: {  	_ =	swait.ge [sflag:s24], $0x4000  }
0x17f: {  	[sflag:s24] =	ssyncset.done $0x0  }
0x180: {  	[sflag:s24] =	ssyncadd.s32 $0xFFFFC000  }
0x181: {  	[tilespmem:s21], [sflag:$0x1] =	stream.indirect.gather [hbm4b:s2+s20], $0x80, s14, s20, $0xb8;
	[tilespmem:$0x1D000] =	vst v63  }
0x182: {  	_ = 	snop  }
0x183: {  	[spmem:s4] =	stream.indirect.scatter.add.f32 [tilespmem:s23], [sflag:$0x3], $0x80, s17, s20, $0xb8;
	[tilespmem:$0x1D000] =	vst v63  }
0x184: {  	_ =	swait.ge [sflag:s18], $0x4000  }
0x185: {  	[sflag:s18] =	ssyncset.done $0x0  }
0x186: {  	[sflag:s18] =	ssyncadd.s32 $0xFFFFC000  }
0x187: {  	_ =	swait.ge [sflag:s22], $0x4000  }
0x188: {  	[sflag:s22] =	ssyncset.done $0x0  }
0x189: {  	[sflag:s22] =	ssyncadd.s32 $0xFFFFC000  }
0x18a: {  	[tilespmem:s23], [sflag:$0x2] =	stream.indirect.gather [hbm4b:s2+s20], $0x80, s7, s20, $0xb8;
	[tilespmem:$0x1D000] =	vst v63  }
0x18b: {  	_ = 	snop  }
0x18c: {  	[spmem:s4] =	stream.indirect.scatter.add.f32 [tilespmem:s21], [sflag:$0x3], $0x80, s25, s20, $0xb8;
	[tilespmem:$0x1D000] =	vst v63  }
0x18d: {  	_ =	swait.ge [sflag:s18], $0x4000  }
0x18e: {  	[sflag:s18] =	ssyncset.done $0x0  }
0x18f: {  	[sflag:s18] =	ssyncadd.s32 $0xFFFFC000  }
0x190: {  	_ =	swait.ge [sflag:s24], $0x4000  }
0x191: {  	[sflag:s24] =	ssyncset.done $0x0  }
0x192: {  	[sflag:s24] =	ssyncadd.s32 $0xFFFFC000  }
0x193: {  	[tilespmem:s21], [sflag:$0x1] =	stream.indirect.gather [hbm4b:s2+s20], $0x80, s26, s20, $0xb8;
	[tilespmem:$0x1D000] =	vst v63  }
0x194: {  	_ = 	snop  }
0x195: {  	[spmem:s4] =	stream.indirect.scatter.add.f32 [tilespmem:s23], [sflag:$0x3], $0x80, s28, s20, $0xb8;
	[tilespmem:$0x1D000] =	vst v63  }
0x196: {  	_ =	swait.ge [sflag:s18], $0x4000  }
0x197: {  	[sflag:s18] =	ssyncset.done $0x0  }
0x198: {  	[sflag:s18] =	ssyncadd.s32 $0xFFFFC000  }
0x199: {  	_ =	swait.ge [sflag:s22], $0x4000  }
0x19a: {  	[sflag:s22] =	ssyncset.done $0x0  }
0x19b: {  	[sflag:s22] =	ssyncadd.s32 $0xFFFFC000  }
0x19c: {  	[tilespmem:s23], [sflag:$0x2] =	stream.indirect.gather [hbm4b:s2+s20], $0x80, s29, s20, $0xb8;
	[tilespmem:$0x1D000] =	vst v63  }
0x19d: {  	_ = 	snop  }
0x19e: {  	[spmem:s4] =	stream.indirect.scatter.add.f32 [tilespmem:s21], [sflag:$0x3], $0x80, s30, s20, $0xb8;
	[tilespmem:$0x1D000] =	vst v63  }
0x19f: {  	_ =	swait.ge [sflag:s18], $0x4000  }
0x1a0: {  	[sflag:s18] =	ssyncset.done $0x0  }
0x1a1: {  	[sflag:s18] =	ssyncadd.s32 $0xFFFFC000  }
0x1a2: {  	_ =	swait.ge [sflag:s24], $0x4000  }
0x1a3: {  	[sflag:s24] =	ssyncset.done $0x0  }
0x1a4: {  	[sflag:s24] =	ssyncadd.s32 $0xFFFFC000  }
0x1a5: {  	[tilespmem:s21], [sflag:$0x1] =	stream.indirect.gather [hbm4b:s2+s20], $0x80, s31, s20, $0xb8;
	[tilespmem:$0x1D000] =	vst v63  }
0x1a6: {  	_ = 	snop  }
0x1a7: {  	[spmem:s4] =	stream.indirect.scatter.add.f32 [tilespmem:s23], [sflag:$0x3], $0x80, s0, s20, $0xb8;
	[tilespmem:$0x1D000] =	vst v63  }
0x1a8: {  	_ =	swait.ge [sflag:s18], $0x4000  }
0x1a9: {  	[sflag:s18] =	ssyncset.done $0x0  }
0x1aa: {  	[sflag:s18] =	ssyncadd.s32 $0xFFFFC000  }
0x1ab: {  	_ =	swait.ge [sflag:s22], $0x4000  }
0x1ac: {  	[sflag:s22] =	ssyncset.done $0x0  }
0x1ad: {  	[sflag:s22] =	ssyncadd.s32 $0xFFFFC000  }
0x1ae: {  	[tilespmem:s23], [sflag:$0x2] =	stream.indirect.gather [hbm4b:s2+s20], $0x80, s3, s20, $0xb8;
	[tilespmem:$0x1D000] =	vst v63  }
0x1af: {  	_ = 	snop  }
0x1b0: {  	[spmem:s4] =	stream.indirect.scatter.add.f32 [tilespmem:s21], [sflag:$0x3], $0x80, s9, s20, $0xb8;
	[tilespmem:$0x1D000] =	vst v63  }
0x1b1: {  	_ =	swait.ge [sflag:s18], $0x4000  }
0x1b2: {  	[sflag:s18] =	ssyncset.done $0x0  }
0x1b3: {  	[sflag:s18] =	ssyncadd.s32 $0xFFFFC000  }
0x1b4: {  	_ =	swait.ge [sflag:s24], $0x4000  }
0x1b5: {  	[sflag:s24] =	ssyncset.done $0x0  }
0x1b6: {  	[sflag:s24] =	ssyncadd.s32 $0xFFFFC000  }
0x1b7: {  	[tilespmem:s21], [sflag:$0x1] =	stream.indirect.gather [hbm4b:s2+s20], $0x80, s11, s20, $0xb8;
	[tilespmem:$0x1D000] =	vst v63  }
0x1b8: {  	_ = 	snop  }
0x1b9: {  	[spmem:s4] =	stream.indirect.scatter.add.f32 [tilespmem:s23], [sflag:$0x3], $0x80, s12, s20, $0xb8;
	[tilespmem:$0x1D000] =	vst v63  }
0x1ba: {  	_ =	swait.ge [sflag:s18], $0x4000  }
0x1bb: {  	[sflag:s18] =	ssyncset.done $0x0  }
0x1bc: {  	[sflag:s18] =	ssyncadd.s32 $0xFFFFC000  }
0x1bd: {  	_ =	swait.ge [sflag:s22], $0x4000  }
0x1be: {  	[sflag:s22] =	ssyncset.done $0x0  }
0x1bf: {  	s8 =	simm.s32 $0x480;
	[sflag:s22] =	ssyncadd.s32 $0xFFFFC000  }
0x1c0: {  	[tilespmem:s23], [sflag:$0x2] =	stream.indirect.gather [hbm4b:s2+s20], $0x80, s8, s20, $0xb8;
	[tilespmem:$0x1D000] =	vst v63  }
0x1c1: {  	_ = 	snop  }
0x1c2: {  	[spmem:s4] =	stream.indirect.scatter.add.f32 [tilespmem:s21], [sflag:$0x3], $0x80, s10, s20, $0xb8;
	[tilespmem:$0x1D000] =	vst v63  }
0x1c3: {  	_ =	swait.ge [sflag:s18], $0x4000  }
0x1c4: {  	[sflag:s18] =	ssyncset.done $0x0  }
0x1c5: {  	[sflag:s18] =	ssyncadd.s32 $0xFFFFC000  }
0x1c6: {  	_ =	swait.ge [sflag:s24], $0x4000  }
0x1c7: {  	[sflag:s24] =	ssyncset.done $0x0  }
0x1c8: {  	s8 =	simm.s32 $0x500;
	[sflag:s24] =	ssyncadd.s32 $0xFFFFC000  }
0x1c9: {  	[tilespmem:s21], [sflag:$0x1] =	stream.indirect.gather [hbm4b:s2+s20], $0x80, s8, s20, $0xb8;
	[tilespmem:$0x1D000] =	vst v63  }
0x1ca: {  	s8 =	simm.s32 $0xC80  }
0x1cb: {  	[spmem:s4] =	stream.indirect.scatter.add.f32 [tilespmem:s23], [sflag:$0x3], $0x80, s8, s20, $0xb8;
	[tilespmem:$0x1D000] =	vst v63  }
0x1cc: {  	_ =	swait.ge [sflag:s18], $0x4000  }
0x1cd: {  	[sflag:s18] =	ssyncset.done $0x0  }
0x1ce: {  	[sflag:s18] =	ssyncadd.s32 $0xFFFFC000  }
0x1cf: {  	_ =	swait.ge [sflag:s22], $0x4000  }
0x1d0: {  	[sflag:s22] =	ssyncset.done $0x0  }
0x1d1: {  	s8 =	simm.s32 $0x580;
	[sflag:s22] =	ssyncadd.s32 $0xFFFFC000  }
0x1d2: {  	[tilespmem:s23], [sflag:$0x2] =	stream.indirect.gather [hbm4b:s2+s20], $0x80, s8, s20, $0xb8;
	[tilespmem:$0x1D000] =	vst v63  }
0x1d3: {  	s8 =	simm.s32 $0xD00  }
0x1d4: {  	[spmem:s4] =	stream.indirect.scatter.add.f32 [tilespmem:s21], [sflag:$0x3], $0x80, s8, s20, $0xb8;
	[tilespmem:$0x1D000] =	vst v63  }
0x1d5: {  	_ =	swait.ge [sflag:s18], $0x4000  }
0x1d6: {  	[sflag:s18] =	ssyncset.done $0x0  }
0x1d7: {  	[sflag:s18] =	ssyncadd.s32 $0xFFFFC000  }
0x1d8: {  	_ =	swait.ge [sflag:s24], $0x4000  }
0x1d9: {  	[sflag:s24] =	ssyncset.done $0x0  }
0x1da: {  	s8 =	simm.s32 $0x600;
	[sflag:s24] =	ssyncadd.s32 $0xFFFFC000  }
0x1db: {  	[tilespmem:s21], [sflag:$0x1] =	stream.indirect.gather [hbm4b:s2+s20], $0x80, s8, s20, $0xb8;
	[tilespmem:$0x1D000] =	vst v63  }
0x1dc: {  	s8 =	simm.s32 $0xD80  }
0x1dd: {  	[spmem:s4] =	stream.indirect.scatter.add.f32 [tilespmem:s23], [sflag:$0x3], $0x80, s8, s20, $0xb8;
	[tilespmem:$0x1D000] =	vst v63  }
0x1de: {  	_ =	swait.ge [sflag:s18], $0x4000  }
0x1df: {  	[sflag:s18] =	ssyncset.done $0x0  }
0x1e0: {  	[sflag:s18] =	ssyncadd.s32 $0xFFFFC000  }
0x1e1: {  	_ =	swait.ge [sflag:s22], $0x4000  }
0x1e2: {  	[sflag:s22] =	ssyncset.done $0x0  }
0x1e3: {  	s8 =	simm.s32 $0x680;
	[sflag:s22] =	ssyncadd.s32 $0xFFFFC000  }
0x1e4: {  	[tilespmem:s23], [sflag:$0x2] =	stream.indirect.gather [hbm4b:s2+s20], $0x80, s8, s20, $0xb8;
	[tilespmem:$0x1D000] =	vst v63  }
0x1e5: {  	s8 =	simm.s32 $0xE00  }
0x1e6: {  	[spmem:s4] =	stream.indirect.scatter.add.f32 [tilespmem:s21], [sflag:$0x3], $0x80, s8, s20, $0xb8;
	[tilespmem:$0x1D000] =	vst v63  }
0x1e7: {  	_ =	swait.ge [sflag:s18], $0x4000  }
0x1e8: {  	[sflag:s18] =	ssyncset.done $0x0  }
0x1e9: {  	[sflag:s18] =	ssyncadd.s32 $0xFFFFC000  }
0x1ea: {  	_ =	swait.ge [sflag:s24], $0x4000  }
0x1eb: {  	[sflag:s24] =	ssyncset.done $0x0  }
0x1ec: {  	s8 =	simm.s32 $0x700;
	[sflag:s24] =	ssyncadd.s32 $0xFFFFC000  }
0x1ed: {  	[tilespmem:s21], [sflag:$0x1] =	stream.indirect.gather [hbm4b:s2+s20], $0x80, s8, s20, $0xb8;
	[tilespmem:$0x1D000] =	vst v63  }
0x1ee: {  	s8 =	simm.s32 $0xE80  }
0x1ef: {  	[spmem:s4] =	stream.indirect.scatter.add.f32 [tilespmem:s23], [sflag:$0x3], $0x80, s8, s20, $0xb8;
	[tilespmem:$0x1D000] =	vst v63  }
0x1f0: {  	_ =	swait.ge [sflag:s18], $0x4000  }
0x1f1: {  	[sflag:s18] =	ssyncset.done $0x0  }
0x1f2: {  	[sflag:s18] =	ssyncadd.s32 $0xFFFFC000  }
0x1f3: {  	_ =	swait.ge [sflag:s22], $0x4000  }
0x1f4: {  	[sflag:s22] =	ssyncset.done $0x0  }
0x1f5: {  	s8 =	simm.s32 $0x780;
	[sflag:s22] =	ssyncadd.s32 $0xFFFFC000  }
0x1f6: {  	[tilespmem:s23], [sflag:$0x2] =	stream.indirect.gather [hbm4b:s2+s20], $0x80, s8, s20, $0xb8;
	[tilespmem:$0x1D000] =	vst v63  }
0x1f7: {  	s8 =	simm.s32 $0xF00  }
0x1f8: {  	[spmem:s4] =	stream.indirect.scatter.add.f32 [tilespmem:s21], [sflag:$0x3], $0x80, s8, s20, $0xb8;
	[tilespmem:$0x1D000] =	vst v63  }
0x1f9: {  	_ =	swait.ge [sflag:s18], $0x4000  }
0x1fa: {  	[sflag:s18] =	ssyncset.done $0x0  }
0x1fb: {  	[sflag:s18] =	ssyncadd.s32 $0xFFFFC000  }
0x1fc: {  	_ =	swait.ge [sflag:s24], $0x4000  }
.Ltmp3:
0x1fd: {  	[sflag:s24] =	ssyncset.done $0x0;
	(pc) =	sbr.rel @p2 .LBB2_6-.Ltmp3, $4  }
0x1fe: {  	s8 =	simm.s32 $0xF80;
	[sflag:s24] =	ssyncadd.s32 $0xFFFFC000  }
0x1ff: {  	[spmem:s4] =	stream.indirect.scatter.add.f32 [tilespmem:s23], [sflag:$0x3], $0x80, s8, s20, $0xb8;
	[tilespmem:$0x1D000] =	vst v63  }
0x200: {  	_ =	swait.ge [sflag:s18], $0x4000  }
0x201: {  	s8 =	smov.u32 s6;
	[sflag:s18] =	ssyncset.done $0x0  }
.Ltmp4:
0x202: {  	_ = 	snop;
	(pc) =	sbr.rel .LBB2_7-.Ltmp4, $1  }
0x203: {  	_ =	sdelay $0x3  }
.LBB2_2:
0x204: {  	[tilespmem:s5], [sflag:$0x3] =	stream.linear.gather [hbm4b:s6+s5], $0x800, $0x38;
	[tilespmem:$0x1D000] =	vst v63  }
0x205: {  	_ =	swait.ge [sflag:s18], $0x800  }
0x206: {  	[sflag:s18] =	ssyncset.done $0x0  }
0x207: {  	s10 =	sadd.s32 $0x0, s15;
	[sflag:s18] =	ssyncadd.s32 $0xFFFFF800  }
0x208: {  	[tilespmem:s19], [sflag:$0x3] =	stream.linear.gather [hbm4b:s10+s5], $0x800, $0x38;
	[tilespmem:$0x1D000] =	vst v63  }
0x209: {  	_ =	swait.ge [sflag:s18], $0x800  }
0x20a: {  	[sflag:s18] =	ssyncset.done $0x0  }
0x20b: {  	[sflag:s18] =	ssyncadd.s32 $0xFFFFF800  }
0x20c: {  	[tilespmem:s21], [sflag:$0x1] =	stream.indirect.gather [hbm4b:s1+s20], $0x80, s5, s20, $0xb8;
	[tilespmem:$0x1D000] =	vst v63  }
0x20d: {  	_ =	swait.ge [sflag:s22], $0x4000  }
0x20e: {  	[sflag:s22] =	ssyncset.done $0x0  }
0x20f: {  	[sflag:s22] =	ssyncadd.s32 $0xFFFFC000  }
0x210: {  	[tilespmem:s23], [sflag:$0x2] =	stream.indirect.gather [hbm4b:s1+s20], $0x80, s20, s20, $0xb8;
	[tilespmem:$0x1D000] =	vst v63  }
0x211: {  	_ = 	snop  }
0x212: {  	[spmem:s4] =	stream.indirect.scatter.add.f32 [tilespmem:s21], [sflag:$0x3], $0x80, s19, s20, $0xb8;
	[tilespmem:$0x1D000] =	vst v63  }
0x213: {  	_ =	swait.ge [sflag:s18], $0x4000  }
0x214: {  	[sflag:s18] =	ssyncset.done $0x0  }
0x215: {  	[sflag:s18] =	ssyncadd.s32 $0xFFFFC000  }
0x216: {  	_ =	swait.ge [sflag:s24], $0x4000  }
0x217: {  	[sflag:s24] =	ssyncset.done $0x0  }
0x218: {  	[sflag:s24] =	ssyncadd.s32 $0xFFFFC000  }
0x219: {  	[tilespmem:s21], [sflag:$0x1] =	stream.indirect.gather [hbm4b:s1+s20], $0x80, s14, s20, $0xb8;
	[tilespmem:$0x1D000] =	vst v63  }
0x21a: {  	_ = 	snop  }
0x21b: {  	[spmem:s4] =	stream.indirect.scatter.add.f32 [tilespmem:s23], [sflag:$0x3], $0x80, s13, s20, $0xb8;
	[tilespmem:$0x1D000] =	vst v63  }
0x21c: {  	_ =	swait.ge [sflag:s18], $0x4000  }
0x21d: {  	[sflag:s18] =	ssyncset.done $0x0  }
0x21e: {  	[sflag:s18] =	ssyncadd.s32 $0xFFFFC000  }
0x21f: {  	_ =	swait.ge [sflag:s22], $0x4000  }
0x220: {  	[sflag:s22] =	ssyncset.done $0x0  }
0x221: {  	[sflag:s22] =	ssyncadd.s32 $0xFFFFC000  }
0x222: {  	[tilespmem:s23], [sflag:$0x2] =	stream.indirect.gather [hbm4b:s1+s20], $0x80, s7, s20, $0xb8;
	[tilespmem:$0x1D000] =	vst v63  }
0x223: {  	_ = 	snop  }
0x224: {  	[spmem:s4] =	stream.indirect.scatter.add.f32 [tilespmem:s21], [sflag:$0x3], $0x80, s17, s20, $0xb8;
	[tilespmem:$0x1D000] =	vst v63  }
0x225: {  	_ =	swait.ge [sflag:s18], $0x4000  }
0x226: {  	[sflag:s18] =	ssyncset.done $0x0  }
0x227: {  	[sflag:s18] =	ssyncadd.s32 $0xFFFFC000  }
0x228: {  	_ =	swait.ge [sflag:s24], $0x4000  }
0x229: {  	[sflag:s24] =	ssyncset.done $0x0  }
0x22a: {  	[sflag:s24] =	ssyncadd.s32 $0xFFFFC000  }
0x22b: {  	[tilespmem:s21], [sflag:$0x1] =	stream.indirect.gather [hbm4b:s1+s20], $0x80, s25, s20, $0xb8;
	[tilespmem:$0x1D000] =	vst v63  }
0x22c: {  	_ = 	snop  }
0x22d: {  	[spmem:s4] =	stream.indirect.scatter.add.f32 [tilespmem:s23], [sflag:$0x3], $0x80, s26, s20, $0xb8;
	[tilespmem:$0x1D000] =	vst v63  }
0x22e: {  	_ =	swait.ge [sflag:s18], $0x4000  }
0x22f: {  	[sflag:s18] =	ssyncset.done $0x0  }
0x230: {  	[sflag:s18] =	ssyncadd.s32 $0xFFFFC000  }
0x231: {  	_ =	swait.ge [sflag:s22], $0x4000  }
0x232: {  	[sflag:s22] =	ssyncset.done $0x0  }
0x233: {  	[sflag:s22] =	ssyncadd.s32 $0xFFFFC000  }
0x234: {  	[tilespmem:s23], [sflag:$0x2] =	stream.indirect.gather [hbm4b:s1+s20], $0x80, s28, s20, $0xb8;
	[tilespmem:$0x1D000] =	vst v63  }
0x235: {  	_ = 	snop  }
0x236: {  	[spmem:s4] =	stream.indirect.scatter.add.f32 [tilespmem:s21], [sflag:$0x3], $0x80, s29, s20, $0xb8;
	[tilespmem:$0x1D000] =	vst v63  }
0x237: {  	_ =	swait.ge [sflag:s18], $0x4000  }
0x238: {  	[sflag:s18] =	ssyncset.done $0x0  }
0x239: {  	[sflag:s18] =	ssyncadd.s32 $0xFFFFC000  }
0x23a: {  	_ =	swait.ge [sflag:s24], $0x4000  }
0x23b: {  	[sflag:s24] =	ssyncset.done $0x0  }
0x23c: {  	[sflag:s24] =	ssyncadd.s32 $0xFFFFC000  }
0x23d: {  	[tilespmem:s21], [sflag:$0x1] =	stream.indirect.gather [hbm4b:s1+s20], $0x80, s30, s20, $0xb8;
	[tilespmem:$0x1D000] =	vst v63  }
0x23e: {  	_ = 	snop  }
0x23f: {  	[spmem:s4] =	stream.indirect.scatter.add.f32 [tilespmem:s23], [sflag:$0x3], $0x80, s0, s20, $0xb8;
	[tilespmem:$0x1D000] =	vst v63  }
0x240: {  	_ =	swait.ge [sflag:s18], $0x4000  }
0x241: {  	[sflag:s18] =	ssyncset.done $0x0  }
0x242: {  	[sflag:s18] =	ssyncadd.s32 $0xFFFFC000  }
0x243: {  	_ =	swait.ge [sflag:s22], $0x4000  }
0x244: {  	[sflag:s22] =	ssyncset.done $0x0  }
0x245: {  	[sflag:s22] =	ssyncadd.s32 $0xFFFFC000  }
0x246: {  	[tilespmem:s23], [sflag:$0x2] =	stream.indirect.gather [hbm4b:s1+s20], $0x80, s3, s20, $0xb8;
	[tilespmem:$0x1D000] =	vst v63  }
0x247: {  	_ = 	snop  }
0x248: {  	[spmem:s4] =	stream.indirect.scatter.add.f32 [tilespmem:s21], [sflag:$0x3], $0x80, s9, s20, $0xb8;
	[tilespmem:$0x1D000] =	vst v63  }
0x249: {  	_ =	swait.ge [sflag:s18], $0x4000  }
0x24a: {  	[sflag:s18] =	ssyncset.done $0x0  }
0x24b: {  	[sflag:s18] =	ssyncadd.s32 $0xFFFFC000  }
0x24c: {  	_ =	swait.ge [sflag:s24], $0x4000  }
0x24d: {  	[sflag:s24] =	ssyncset.done $0x0  }
0x24e: {  	[sflag:s24] =	ssyncadd.s32 $0xFFFFC000  }
0x24f: {  	[tilespmem:s21], [sflag:$0x1] =	stream.indirect.gather [hbm4b:s1+s20], $0x80, s11, s20, $0xb8;
	[tilespmem:$0x1D000] =	vst v63  }
0x250: {  	_ = 	snop  }
0x251: {  	[spmem:s4] =	stream.indirect.scatter.add.f32 [tilespmem:s23], [sflag:$0x3], $0x80, s12, s20, $0xb8;
	[tilespmem:$0x1D000] =	vst v63  }
0x252: {  	_ =	swait.ge [sflag:s18], $0x4000  }
0x253: {  	[sflag:s18] =	ssyncset.done $0x0  }
0x254: {  	[sflag:s18] =	ssyncadd.s32 $0xFFFFC000  }
0x255: {  	_ =	swait.ge [sflag:s22], $0x4000  }
0x256: {  	[sflag:s22] =	ssyncset.done $0x0  }
0x257: {  	[sflag:s22] =	ssyncadd.s32 $0xFFFFC000  }
0x258: {  	[tilespmem:s23], [sflag:$0x2] =	stream.indirect.gather [hbm4b:s1+s20], $0x80, s31, s20, $0xb8;
	[tilespmem:$0x1D000] =	vst v63  }
0x259: {  	s26 =	simm.s32 $0xC00  }
0x25a: {  	[spmem:s4] =	stream.indirect.scatter.add.f32 [tilespmem:s21], [sflag:$0x3], $0x80, s26, s20, $0xb8;
	[tilespmem:$0x1D000] =	vst v63  }
0x25b: {  	_ =	swait.ge [sflag:s18], $0x4000  }
0x25c: {  	[sflag:s18] =	ssyncset.done $0x0  }
0x25d: {  	[sflag:s18] =	ssyncadd.s32 $0xFFFFC000  }
0x25e: {  	_ =	swait.ge [sflag:s24], $0x4000  }
0x25f: {  	[sflag:s24] =	ssyncset.done $0x0  }
0x260: {  	s3 =	simm.s32 $0x500;
	[sflag:s24] =	ssyncadd.s32 $0xFFFFC000  }
0x261: {  	[tilespmem:s21], [sflag:$0x1] =	stream.indirect.gather [hbm4b:s1+s20], $0x80, s3, s20, $0xb8;
	[tilespmem:$0x1D000] =	vst v63  }
0x262: {  	s6 =	simm.s32 $0xC80  }
0x263: {  	[spmem:s4] =	stream.indirect.scatter.add.f32 [tilespmem:s23], [sflag:$0x3], $0x80, s6, s20, $0xb8;
	[tilespmem:$0x1D000] =	vst v63  }
0x264: {  	_ =	swait.ge [sflag:s18], $0x4000  }
0x265: {  	[sflag:s18] =	ssyncset.done $0x0  }
0x266: {  	[sflag:s18] =	ssyncadd.s32 $0xFFFFC000  }
0x267: {  	_ =	swait.ge [sflag:s22], $0x4000  }
0x268: {  	[sflag:s22] =	ssyncset.done $0x0  }
0x269: {  	s7 =	simm.s32 $0x580;
	[sflag:s22] =	ssyncadd.s32 $0xFFFFC000  }
0x26a: {  	[tilespmem:s23], [sflag:$0x2] =	stream.indirect.gather [hbm4b:s1+s20], $0x80, s7, s20, $0xb8;
	[tilespmem:$0x1D000] =	vst v63  }
0x26b: {  	s8 =	simm.s32 $0xD00  }
0x26c: {  	[spmem:s4] =	stream.indirect.scatter.add.f32 [tilespmem:s21], [sflag:$0x3], $0x80, s8, s20, $0xb8;
	[tilespmem:$0x1D000] =	vst v63  }
0x26d: {  	_ =	swait.ge [sflag:s18], $0x4000  }
0x26e: {  	[sflag:s18] =	ssyncset.done $0x0  }
0x26f: {  	[sflag:s18] =	ssyncadd.s32 $0xFFFFC000  }
0x270: {  	_ =	swait.ge [sflag:s24], $0x4000  }
0x271: {  	[sflag:s24] =	ssyncset.done $0x0  }
0x272: {  	s9 =	simm.s32 $0x600;
	[sflag:s24] =	ssyncadd.s32 $0xFFFFC000  }
0x273: {  	[tilespmem:s21], [sflag:$0x1] =	stream.indirect.gather [hbm4b:s1+s20], $0x80, s9, s20, $0xb8;
	[tilespmem:$0x1D000] =	vst v63  }
0x274: {  	s10 =	simm.s32 $0xD80  }
0x275: {  	[spmem:s4] =	stream.indirect.scatter.add.f32 [tilespmem:s23], [sflag:$0x3], $0x80, s10, s20, $0xb8;
	[tilespmem:$0x1D000] =	vst v63  }
0x276: {  	_ =	swait.ge [sflag:s18], $0x4000  }
0x277: {  	[sflag:s18] =	ssyncset.done $0x0  }
0x278: {  	[sflag:s18] =	ssyncadd.s32 $0xFFFFC000  }
0x279: {  	_ =	swait.ge [sflag:s22], $0x4000  }
0x27a: {  	[sflag:s22] =	ssyncset.done $0x0  }
0x27b: {  	s11 =	simm.s32 $0x680;
	[sflag:s22] =	ssyncadd.s32 $0xFFFFC000  }
0x27c: {  	[tilespmem:s23], [sflag:$0x2] =	stream.indirect.gather [hbm4b:s1+s20], $0x80, s11, s20, $0xb8;
	[tilespmem:$0x1D000] =	vst v63  }
0x27d: {  	s12 =	simm.s32 $0xE00  }
0x27e: {  	[spmem:s4] =	stream.indirect.scatter.add.f32 [tilespmem:s21], [sflag:$0x3], $0x80, s12, s20, $0xb8;
	[tilespmem:$0x1D000] =	vst v63  }
0x27f: {  	_ =	swait.ge [sflag:s18], $0x4000  }
0x280: {  	[sflag:s18] =	ssyncset.done $0x0  }
0x281: {  	[sflag:s18] =	ssyncadd.s32 $0xFFFFC000  }
0x282: {  	_ =	swait.ge [sflag:s24], $0x4000  }
0x283: {  	[sflag:s24] =	ssyncset.done $0x0  }
0x284: {  	s13 =	simm.s32 $0x700;
	[sflag:s24] =	ssyncadd.s32 $0xFFFFC000  }
0x285: {  	[tilespmem:s21], [sflag:$0x1] =	stream.indirect.gather [hbm4b:s1+s20], $0x80, s13, s20, $0xb8;
	[tilespmem:$0x1D000] =	vst v63  }
0x286: {  	s14 =	simm.s32 $0xE80  }
0x287: {  	[spmem:s4] =	stream.indirect.scatter.add.f32 [tilespmem:s23], [sflag:$0x3], $0x80, s14, s20, $0xb8;
	[tilespmem:$0x1D000] =	vst v63  }
0x288: {  	_ =	swait.ge [sflag:s18], $0x4000  }
0x289: {  	[sflag:s18] =	ssyncset.done $0x0  }
0x28a: {  	[sflag:s18] =	ssyncadd.s32 $0xFFFFC000  }
0x28b: {  	_ =	swait.ge [sflag:s22], $0x4000  }
0x28c: {  	[sflag:s22] =	ssyncset.done $0x0  }
0x28d: {  	s17 =	simm.s32 $0x780;
	[sflag:s22] =	ssyncadd.s32 $0xFFFFC000  }
0x28e: {  	[tilespmem:s23], [sflag:$0x2] =	stream.indirect.gather [hbm4b:s1+s20], $0x80, s17, s20, $0xb8;
	[tilespmem:$0x1D000] =	vst v63  }
0x28f: {  	s25 =	simm.s32 $0xF00  }
0x290: {  	[spmem:s4] =	stream.indirect.scatter.add.f32 [tilespmem:s21], [sflag:$0x3], $0x80, s25, s20, $0xb8;
	[tilespmem:$0x1D000] =	vst v63  }
0x291: {  	s28 =	simm.s32 $0x980;
	s29 =	simm.s32 $0x280;
	_ =	swait.ge [sflag:s18], $0x4000  }
0x292: {  	s30 =	simm.s32 $0xA00;
	s0 =	simm.s32 $0xA80;
	[sflag:s18] =	ssyncset.done $0x0  }
0x293: {  	s31 =	simm.s32 $0x300;
	s26 =	simm.s32 $0xF80;
	[sflag:s18] =	ssyncadd.s32 $0xFFFFC000  }
0x294: {  	s3 =	simm.s32 $0x380;
	s6 =	simm.s32 $0x200;
	_ =	swait.ge [sflag:s24], $0x4000  }
0x295: {  	s7 =	simm.s32 $0x180;
	s9 =	simm.s32 $0xB00;
	[sflag:s24] =	ssyncset.done $0x0  }
0x296: {  	s11 =	simm.s32 $0x400;
	s12 =	simm.s32 $0xB80;
	[sflag:s24] =	ssyncadd.s32 $0xFFFFC000  }
0x297: {  	[spmem:s4] =	stream.indirect.scatter.add.f32 [tilespmem:s23], [sflag:$0x3], $0x80, s26, s20, $0xb8;
	[tilespmem:$0x1D000] =	vst v63  }
0x298: {  	s13 =	simm.s32 $0x100;
	s17 =	simm.s32 $0x880;
	_ =	swait.ge [sflag:s18], $0x4000  }
0x299: {  	s25 =	simm.s32 $0x900;
	s26 =	simm.s32 $0x200;
	[sflag:s18] =	ssyncset.done $0x0  }
.LBB2_3:
0x29a: {  	s10 =	sadd.s32 s13, s16  }
0x29b: {  	[sflag:s18] =	ssyncadd.s32 $0xFFFFC000;
	s14 =	smov.u32 s6;
	s8 =	sadd.s32 $0x100, s6  }
0x29c: {  	[tilespmem:s5], [sflag:$0x3] =	stream.linear.gather [hbm4b:s10+s5], $0x800, $0x38;
	[tilespmem:$0x1D000] =	vst v63  }
0x29d: {  	s10 =	simm.s32 $0xC00  }
0x29e: {  	p2 =	sne.s32 s6, $0x400;
	_ =	swait.ge [sflag:s18], $0x800  }
0x29f: {  	s6 =	sadd.s32 s13, s15;
	[sflag:s18] =	ssyncset.done $0x0  }
0x2a0: {  	s13 =	smov.u32 s14;
	s14 =	simm.s32 $0x100;
	[sflag:s18] =	ssyncadd.s32 $0xFFFFF800  }
0x2a1: {  	[tilespmem:s19], [sflag:$0x3] =	stream.linear.gather [hbm4b:s6+s5], $0x800, $0x38;
	[tilespmem:$0x1D000] =	vst v63  }
0x2a2: {  	_ =	swait.ge [sflag:s18], $0x800  }
0x2a3: {  	[sflag:s18] =	ssyncset.done $0x0  }
0x2a4: {  	[sflag:s18] =	ssyncadd.s32 $0xFFFFF800  }
0x2a5: {  	[tilespmem:s21], [sflag:$0x1] =	stream.indirect.gather [hbm4b:s1+s20], $0x80, s5, s20, $0xb8;
	[tilespmem:$0x1D000] =	vst v63  }
0x2a6: {  	_ =	swait.ge [sflag:s22], $0x4000  }
0x2a7: {  	[sflag:s22] =	ssyncset.done $0x0  }
0x2a8: {  	[sflag:s22] =	ssyncadd.s32 $0xFFFFC000  }
0x2a9: {  	[tilespmem:s23], [sflag:$0x2] =	stream.indirect.gather [hbm4b:s1+s20], $0x80, s20, s20, $0xb8;
	[tilespmem:$0x1D000] =	vst v63  }
0x2aa: {  	_ = 	snop  }
0x2ab: {  	[spmem:s4] =	stream.indirect.scatter.add.f32 [tilespmem:s21], [sflag:$0x3], $0x80, s19, s20, $0xb8;
	[tilespmem:$0x1D000] =	vst v63  }
0x2ac: {  	_ =	swait.ge [sflag:s18], $0x4000  }
0x2ad: {  	[sflag:s18] =	ssyncset.done $0x0  }
0x2ae: {  	[sflag:s18] =	ssyncadd.s32 $0xFFFFC000  }
0x2af: {  	_ =	swait.ge [sflag:s24], $0x4000  }
0x2b0: {  	[sflag:s24] =	ssyncset.done $0x0  }
0x2b1: {  	[sflag:s24] =	ssyncadd.s32 $0xFFFFC000  }
0x2b2: {  	[tilespmem:s21], [sflag:$0x1] =	stream.indirect.gather [hbm4b:s1+s20], $0x80, s14, s20, $0xb8;
	[tilespmem:$0x1D000] =	vst v63  }
0x2b3: {  	_ = 	snop  }
0x2b4: {  	[spmem:s4] =	stream.indirect.scatter.add.f32 [tilespmem:s23], [sflag:$0x3], $0x80, s17, s20, $0xb8;
	[tilespmem:$0x1D000] =	vst v63  }
0x2b5: {  	_ =	swait.ge [sflag:s18], $0x4000  }
0x2b6: {  	[sflag:s18] =	ssyncset.done $0x0  }
0x2b7: {  	[sflag:s18] =	ssyncadd.s32 $0xFFFFC000  }
0x2b8: {  	_ =	swait.ge [sflag:s22], $0x4000  }
0x2b9: {  	[sflag:s22] =	ssyncset.done $0x0  }
0x2ba: {  	[sflag:s22] =	ssyncadd.s32 $0xFFFFC000  }
0x2bb: {  	[tilespmem:s23], [sflag:$0x2] =	stream.indirect.gather [hbm4b:s1+s20], $0x80, s7, s20, $0xb8;
	[tilespmem:$0x1D000] =	vst v63  }
0x2bc: {  	_ = 	snop  }
0x2bd: {  	[spmem:s4] =	stream.indirect.scatter.add.f32 [tilespmem:s21], [sflag:$0x3], $0x80, s25, s20, $0xb8;
	[tilespmem:$0x1D000] =	vst v63  }
0x2be: {  	_ =	swait.ge [sflag:s18], $0x4000  }
0x2bf: {  	[sflag:s18] =	ssyncset.done $0x0  }
0x2c0: {  	[sflag:s18] =	ssyncadd.s32 $0xFFFFC000  }
0x2c1: {  	_ =	swait.ge [sflag:s24], $0x4000  }
0x2c2: {  	[sflag:s24] =	ssyncset.done $0x0  }
0x2c3: {  	[sflag:s24] =	ssyncadd.s32 $0xFFFFC000  }
0x2c4: {  	[tilespmem:s21], [sflag:$0x1] =	stream.indirect.gather [hbm4b:s1+s20], $0x80, s26, s20, $0xb8;
	[tilespmem:$0x1D000] =	vst v63  }
0x2c5: {  	_ = 	snop  }
0x2c6: {  	[spmem:s4] =	stream.indirect.scatter.add.f32 [tilespmem:s23], [sflag:$0x3], $0x80, s28, s20, $0xb8;
	[tilespmem:$0x1D000] =	vst v63  }
0x2c7: {  	_ =	swait.ge [sflag:s18], $0x4000  }
0x2c8: {  	[sflag:s18] =	ssyncset.done $0x0  }
0x2c9: {  	[sflag:s18] =	ssyncadd.s32 $0xFFFFC000  }
0x2ca: {  	_ =	swait.ge [sflag:s22], $0x4000  }
0x2cb: {  	[sflag:s22] =	ssyncset.done $0x0  }
0x2cc: {  	[sflag:s22] =	ssyncadd.s32 $0xFFFFC000  }
0x2cd: {  	[tilespmem:s23], [sflag:$0x2] =	stream.indirect.gather [hbm4b:s1+s20], $0x80, s29, s20, $0xb8;
	[tilespmem:$0x1D000] =	vst v63  }
0x2ce: {  	_ = 	snop  }
0x2cf: {  	[spmem:s4] =	stream.indirect.scatter.add.f32 [tilespmem:s21], [sflag:$0x3], $0x80, s30, s20, $0xb8;
	[tilespmem:$0x1D000] =	vst v63  }
0x2d0: {  	_ =	swait.ge [sflag:s18], $0x4000  }
0x2d1: {  	[sflag:s18] =	ssyncset.done $0x0  }
0x2d2: {  	[sflag:s18] =	ssyncadd.s32 $0xFFFFC000  }
0x2d3: {  	_ =	swait.ge [sflag:s24], $0x4000  }
0x2d4: {  	[sflag:s24] =	ssyncset.done $0x0  }
0x2d5: {  	[sflag:s24] =	ssyncadd.s32 $0xFFFFC000  }
0x2d6: {  	[tilespmem:s21], [sflag:$0x1] =	stream.indirect.gather [hbm4b:s1+s20], $0x80, s31, s20, $0xb8;
	[tilespmem:$0x1D000] =	vst v63  }
0x2d7: {  	_ = 	snop  }
0x2d8: {  	[spmem:s4] =	stream.indirect.scatter.add.f32 [tilespmem:s23], [sflag:$0x3], $0x80, s0, s20, $0xb8;
	[tilespmem:$0x1D000] =	vst v63  }
0x2d9: {  	_ =	swait.ge [sflag:s18], $0x4000  }
0x2da: {  	[sflag:s18] =	ssyncset.done $0x0  }
0x2db: {  	[sflag:s18] =	ssyncadd.s32 $0xFFFFC000  }
0x2dc: {  	_ =	swait.ge [sflag:s22], $0x4000  }
0x2dd: {  	[sflag:s22] =	ssyncset.done $0x0  }
0x2de: {  	[sflag:s22] =	ssyncadd.s32 $0xFFFFC000  }
0x2df: {  	[tilespmem:s23], [sflag:$0x2] =	stream.indirect.gather [hbm4b:s1+s20], $0x80, s3, s20, $0xb8;
	[tilespmem:$0x1D000] =	vst v63  }
0x2e0: {  	_ = 	snop  }
0x2e1: {  	[spmem:s4] =	stream.indirect.scatter.add.f32 [tilespmem:s21], [sflag:$0x3], $0x80, s9, s20, $0xb8;
	[tilespmem:$0x1D000] =	vst v63  }
0x2e2: {  	_ =	swait.ge [sflag:s18], $0x4000  }
0x2e3: {  	[sflag:s18] =	ssyncset.done $0x0  }
0x2e4: {  	[sflag:s18] =	ssyncadd.s32 $0xFFFFC000  }
0x2e5: {  	_ =	swait.ge [sflag:s24], $0x4000  }
0x2e6: {  	[sflag:s24] =	ssyncset.done $0x0  }
0x2e7: {  	[sflag:s24] =	ssyncadd.s32 $0xFFFFC000  }
0x2e8: {  	[tilespmem:s21], [sflag:$0x1] =	stream.indirect.gather [hbm4b:s1+s20], $0x80, s11, s20, $0xb8;
	[tilespmem:$0x1D000] =	vst v63  }
0x2e9: {  	_ = 	snop  }
0x2ea: {  	[spmem:s4] =	stream.indirect.scatter.add.f32 [tilespmem:s23], [sflag:$0x3], $0x80, s12, s20, $0xb8;
	[tilespmem:$0x1D000] =	vst v63  }
0x2eb: {  	_ =	swait.ge [sflag:s18], $0x4000  }
0x2ec: {  	[sflag:s18] =	ssyncset.done $0x0  }
0x2ed: {  	[sflag:s18] =	ssyncadd.s32 $0xFFFFC000  }
0x2ee: {  	_ =	swait.ge [sflag:s22], $0x4000  }
0x2ef: {  	[sflag:s22] =	ssyncset.done $0x0  }
0x2f0: {  	s6 =	simm.s32 $0x480;
	[sflag:s22] =	ssyncadd.s32 $0xFFFFC000  }
0x2f1: {  	[tilespmem:s23], [sflag:$0x2] =	stream.indirect.gather [hbm4b:s1+s20], $0x80, s6, s20, $0xb8;
	[tilespmem:$0x1D000] =	vst v63  }
0x2f2: {  	_ = 	snop  }
0x2f3: {  	[spmem:s4] =	stream.indirect.scatter.add.f32 [tilespmem:s21], [sflag:$0x3], $0x80, s10, s20, $0xb8;
	[tilespmem:$0x1D000] =	vst v63  }
0x2f4: {  	_ =	swait.ge [sflag:s18], $0x4000  }
0x2f5: {  	[sflag:s18] =	ssyncset.done $0x0  }
0x2f6: {  	[sflag:s18] =	ssyncadd.s32 $0xFFFFC000  }
0x2f7: {  	_ =	swait.ge [sflag:s24], $0x4000  }
0x2f8: {  	[sflag:s24] =	ssyncset.done $0x0  }
0x2f9: {  	s6 =	simm.s32 $0x500;
	[sflag:s24] =	ssyncadd.s32 $0xFFFFC000  }
0x2fa: {  	[tilespmem:s21], [sflag:$0x1] =	stream.indirect.gather [hbm4b:s1+s20], $0x80, s6, s20, $0xb8;
	[tilespmem:$0x1D000] =	vst v63  }
0x2fb: {  	s6 =	simm.s32 $0xC80  }
0x2fc: {  	[spmem:s4] =	stream.indirect.scatter.add.f32 [tilespmem:s23], [sflag:$0x3], $0x80, s6, s20, $0xb8;
	[tilespmem:$0x1D000] =	vst v63  }
0x2fd: {  	_ =	swait.ge [sflag:s18], $0x4000  }
0x2fe: {  	[sflag:s18] =	ssyncset.done $0x0  }
0x2ff: {  	[sflag:s18] =	ssyncadd.s32 $0xFFFFC000  }
0x300: {  	_ =	swait.ge [sflag:s22], $0x4000  }
0x301: {  	[sflag:s22] =	ssyncset.done $0x0  }
0x302: {  	s6 =	simm.s32 $0x580;
	[sflag:s22] =	ssyncadd.s32 $0xFFFFC000  }
0x303: {  	[tilespmem:s23], [sflag:$0x2] =	stream.indirect.gather [hbm4b:s1+s20], $0x80, s6, s20, $0xb8;
	[tilespmem:$0x1D000] =	vst v63  }
0x304: {  	s6 =	simm.s32 $0xD00  }
0x305: {  	[spmem:s4] =	stream.indirect.scatter.add.f32 [tilespmem:s21], [sflag:$0x3], $0x80, s6, s20, $0xb8;
	[tilespmem:$0x1D000] =	vst v63  }
0x306: {  	_ =	swait.ge [sflag:s18], $0x4000  }
0x307: {  	[sflag:s18] =	ssyncset.done $0x0  }
0x308: {  	[sflag:s18] =	ssyncadd.s32 $0xFFFFC000  }
0x309: {  	_ =	swait.ge [sflag:s24], $0x4000  }
0x30a: {  	[sflag:s24] =	ssyncset.done $0x0  }
0x30b: {  	s6 =	simm.s32 $0x600;
	[sflag:s24] =	ssyncadd.s32 $0xFFFFC000  }
0x30c: {  	[tilespmem:s21], [sflag:$0x1] =	stream.indirect.gather [hbm4b:s1+s20], $0x80, s6, s20, $0xb8;
	[tilespmem:$0x1D000] =	vst v63  }
0x30d: {  	s6 =	simm.s32 $0xD80  }
0x30e: {  	[spmem:s4] =	stream.indirect.scatter.add.f32 [tilespmem:s23], [sflag:$0x3], $0x80, s6, s20, $0xb8;
	[tilespmem:$0x1D000] =	vst v63  }
0x30f: {  	_ =	swait.ge [sflag:s18], $0x4000  }
0x310: {  	[sflag:s18] =	ssyncset.done $0x0  }
0x311: {  	[sflag:s18] =	ssyncadd.s32 $0xFFFFC000  }
0x312: {  	_ =	swait.ge [sflag:s22], $0x4000  }
0x313: {  	[sflag:s22] =	ssyncset.done $0x0  }
0x314: {  	s6 =	simm.s32 $0x680;
	[sflag:s22] =	ssyncadd.s32 $0xFFFFC000  }
0x315: {  	[tilespmem:s23], [sflag:$0x2] =	stream.indirect.gather [hbm4b:s1+s20], $0x80, s6, s20, $0xb8;
	[tilespmem:$0x1D000] =	vst v63  }
0x316: {  	s6 =	simm.s32 $0xE00  }
0x317: {  	[spmem:s4] =	stream.indirect.scatter.add.f32 [tilespmem:s21], [sflag:$0x3], $0x80, s6, s20, $0xb8;
	[tilespmem:$0x1D000] =	vst v63  }
0x318: {  	_ =	swait.ge [sflag:s18], $0x4000  }
0x319: {  	[sflag:s18] =	ssyncset.done $0x0  }
0x31a: {  	[sflag:s18] =	ssyncadd.s32 $0xFFFFC000  }
0x31b: {  	_ =	swait.ge [sflag:s24], $0x4000  }
0x31c: {  	[sflag:s24] =	ssyncset.done $0x0  }
0x31d: {  	s6 =	simm.s32 $0x700;
	[sflag:s24] =	ssyncadd.s32 $0xFFFFC000  }
0x31e: {  	[tilespmem:s21], [sflag:$0x1] =	stream.indirect.gather [hbm4b:s1+s20], $0x80, s6, s20, $0xb8;
	[tilespmem:$0x1D000] =	vst v63  }
0x31f: {  	s6 =	simm.s32 $0xE80  }
0x320: {  	[spmem:s4] =	stream.indirect.scatter.add.f32 [tilespmem:s23], [sflag:$0x3], $0x80, s6, s20, $0xb8;
	[tilespmem:$0x1D000] =	vst v63  }
0x321: {  	_ =	swait.ge [sflag:s18], $0x4000  }
0x322: {  	[sflag:s18] =	ssyncset.done $0x0  }
0x323: {  	[sflag:s18] =	ssyncadd.s32 $0xFFFFC000  }
0x324: {  	_ =	swait.ge [sflag:s22], $0x4000  }
0x325: {  	[sflag:s22] =	ssyncset.done $0x0  }
0x326: {  	s6 =	simm.s32 $0x780;
	[sflag:s22] =	ssyncadd.s32 $0xFFFFC000  }
0x327: {  	[tilespmem:s23], [sflag:$0x2] =	stream.indirect.gather [hbm4b:s1+s20], $0x80, s6, s20, $0xb8;
	[tilespmem:$0x1D000] =	vst v63  }
0x328: {  	s6 =	simm.s32 $0xF00  }
0x329: {  	[spmem:s4] =	stream.indirect.scatter.add.f32 [tilespmem:s21], [sflag:$0x3], $0x80, s6, s20, $0xb8;
	[tilespmem:$0x1D000] =	vst v63  }
0x32a: {  	_ =	swait.ge [sflag:s18], $0x4000  }
0x32b: {  	[sflag:s18] =	ssyncset.done $0x0  }
0x32c: {  	[sflag:s18] =	ssyncadd.s32 $0xFFFFC000  }
0x32d: {  	_ =	swait.ge [sflag:s24], $0x4000  }
.Ltmp5:
0x32e: {  	[sflag:s24] =	ssyncset.done $0x0;
	(pc) =	sbr.rel @p2 .LBB2_3-.Ltmp5, $4  }
0x32f: {  	s6 =	simm.s32 $0xF80;
	[sflag:s24] =	ssyncadd.s32 $0xFFFFC000  }
0x330: {  	[spmem:s4] =	stream.indirect.scatter.add.f32 [tilespmem:s23], [sflag:$0x3], $0x80, s6, s20, $0xb8;
	[tilespmem:$0x1D000] =	vst v63  }
0x331: {  	_ =	swait.ge [sflag:s18], $0x4000  }
0x332: {  	s6 =	smov.u32 s8;
	[sflag:s18] =	ssyncset.done $0x0  }
0x333: {  	s6 =	sadd.s32 s13, s16;
	[sflag:s18] =	ssyncadd.s32 $0xFFFFC000  }
0x334: {  	[tilespmem:s5], [sflag:$0x3] =	stream.linear.gather [hbm4b:s6+s5], $0x800, $0x38;
	[tilespmem:$0x1D000] =	vst v63  }
0x335: {  	_ =	swait.ge [sflag:s18], $0x800  }
0x336: {  	[sflag:s18] =	ssyncset.done $0x0  }
0x337: {  	s13 =	sadd.s32 s13, s15;
	[sflag:s18] =	ssyncadd.s32 $0xFFFFF800  }
0x338: {  	[tilespmem:s19], [sflag:$0x3] =	stream.linear.gather [hbm4b:s13+s5], $0x800, $0x38;
	[tilespmem:$0x1D000] =	vst v63  }
0x339: {  	_ =	swait.ge [sflag:s18], $0x800  }
0x33a: {  	[sflag:s18] =	ssyncset.done $0x0  }
0x33b: {  	[sflag:s18] =	ssyncadd.s32 $0xFFFFF800  }
0x33c: {  	[tilespmem:s21], [sflag:$0x1] =	stream.indirect.gather [hbm4b:s1+s20], $0x80, s5, s20, $0xb8;
	[tilespmem:$0x1D000] =	vst v63  }
0x33d: {  	_ =	swait.ge [sflag:s22], $0x4000  }
0x33e: {  	[sflag:s22] =	ssyncset.done $0x0  }
0x33f: {  	[sflag:s22] =	ssyncadd.s32 $0xFFFFC000  }
0x340: {  	[tilespmem:s23], [sflag:$0x2] =	stream.indirect.gather [hbm4b:s1+s20], $0x80, s20, s20, $0xb8;
	[tilespmem:$0x1D000] =	vst v63  }
0x341: {  	_ = 	snop  }
0x342: {  	[spmem:s4] =	stream.indirect.scatter.add.f32 [tilespmem:s21], [sflag:$0x3], $0x80, s19, s20, $0xb8;
	[tilespmem:$0x1D000] =	vst v63  }
0x343: {  	_ =	swait.ge [sflag:s18], $0x4000  }
0x344: {  	[sflag:s18] =	ssyncset.done $0x0  }
0x345: {  	[sflag:s18] =	ssyncadd.s32 $0xFFFFC000  }
0x346: {  	_ =	swait.ge [sflag:s24], $0x4000  }
0x347: {  	[sflag:s24] =	ssyncset.done $0x0  }
0x348: {  	[sflag:s24] =	ssyncadd.s32 $0xFFFFC000  }
0x349: {  	[tilespmem:s21], [sflag:$0x1] =	stream.indirect.gather [hbm4b:s1+s20], $0x80, s14, s20, $0xb8;
	[tilespmem:$0x1D000] =	vst v63  }
0x34a: {  	_ = 	snop  }
0x34b: {  	[spmem:s4] =	stream.indirect.scatter.add.f32 [tilespmem:s23], [sflag:$0x3], $0x80, s17, s20, $0xb8;
	[tilespmem:$0x1D000] =	vst v63  }
0x34c: {  	_ =	swait.ge [sflag:s18], $0x4000  }
0x34d: {  	[sflag:s18] =	ssyncset.done $0x0  }
0x34e: {  	[sflag:s18] =	ssyncadd.s32 $0xFFFFC000  }
0x34f: {  	_ =	swait.ge [sflag:s22], $0x4000  }
0x350: {  	[sflag:s22] =	ssyncset.done $0x0  }
0x351: {  	[sflag:s22] =	ssyncadd.s32 $0xFFFFC000  }
0x352: {  	[tilespmem:s23], [sflag:$0x2] =	stream.indirect.gather [hbm4b:s1+s20], $0x80, s7, s20, $0xb8;
	[tilespmem:$0x1D000] =	vst v63  }
0x353: {  	_ = 	snop  }
0x354: {  	[spmem:s4] =	stream.indirect.scatter.add.f32 [tilespmem:s21], [sflag:$0x3], $0x80, s25, s20, $0xb8;
	[tilespmem:$0x1D000] =	vst v63  }
0x355: {  	_ =	swait.ge [sflag:s18], $0x4000  }
0x356: {  	[sflag:s18] =	ssyncset.done $0x0  }
0x357: {  	[sflag:s18] =	ssyncadd.s32 $0xFFFFC000  }
0x358: {  	_ =	swait.ge [sflag:s24], $0x4000  }
0x359: {  	[sflag:s24] =	ssyncset.done $0x0  }
0x35a: {  	[sflag:s24] =	ssyncadd.s32 $0xFFFFC000  }
0x35b: {  	[tilespmem:s21], [sflag:$0x1] =	stream.indirect.gather [hbm4b:s1+s20], $0x80, s26, s20, $0xb8;
	[tilespmem:$0x1D000] =	vst v63  }
0x35c: {  	_ = 	snop  }
0x35d: {  	[spmem:s4] =	stream.indirect.scatter.add.f32 [tilespmem:s23], [sflag:$0x3], $0x80, s28, s20, $0xb8;
	[tilespmem:$0x1D000] =	vst v63  }
0x35e: {  	_ =	swait.ge [sflag:s18], $0x4000  }
0x35f: {  	[sflag:s18] =	ssyncset.done $0x0  }
0x360: {  	[sflag:s18] =	ssyncadd.s32 $0xFFFFC000  }
0x361: {  	_ =	swait.ge [sflag:s22], $0x4000  }
0x362: {  	[sflag:s22] =	ssyncset.done $0x0  }
0x363: {  	[sflag:s22] =	ssyncadd.s32 $0xFFFFC000  }
0x364: {  	[tilespmem:s23], [sflag:$0x2] =	stream.indirect.gather [hbm4b:s1+s20], $0x80, s29, s20, $0xb8;
	[tilespmem:$0x1D000] =	vst v63  }
0x365: {  	_ = 	snop  }
0x366: {  	[spmem:s4] =	stream.indirect.scatter.add.f32 [tilespmem:s21], [sflag:$0x3], $0x80, s30, s20, $0xb8;
	[tilespmem:$0x1D000] =	vst v63  }
0x367: {  	_ =	swait.ge [sflag:s18], $0x4000  }
0x368: {  	[sflag:s18] =	ssyncset.done $0x0  }
0x369: {  	[sflag:s18] =	ssyncadd.s32 $0xFFFFC000  }
0x36a: {  	_ =	swait.ge [sflag:s24], $0x4000  }
0x36b: {  	[sflag:s24] =	ssyncset.done $0x0  }
0x36c: {  	[sflag:s24] =	ssyncadd.s32 $0xFFFFC000  }
0x36d: {  	[tilespmem:s21], [sflag:$0x1] =	stream.indirect.gather [hbm4b:s1+s20], $0x80, s31, s20, $0xb8;
	[tilespmem:$0x1D000] =	vst v63  }
0x36e: {  	_ = 	snop  }
0x36f: {  	[spmem:s4] =	stream.indirect.scatter.add.f32 [tilespmem:s23], [sflag:$0x3], $0x80, s0, s20, $0xb8;
	[tilespmem:$0x1D000] =	vst v63  }
0x370: {  	_ =	swait.ge [sflag:s18], $0x4000  }
0x371: {  	[sflag:s18] =	ssyncset.done $0x0  }
0x372: {  	[sflag:s18] =	ssyncadd.s32 $0xFFFFC000  }
0x373: {  	_ =	swait.ge [sflag:s22], $0x4000  }
0x374: {  	[sflag:s22] =	ssyncset.done $0x0  }
0x375: {  	[sflag:s22] =	ssyncadd.s32 $0xFFFFC000  }
0x376: {  	[tilespmem:s23], [sflag:$0x2] =	stream.indirect.gather [hbm4b:s1+s20], $0x80, s3, s20, $0xb8;
	[tilespmem:$0x1D000] =	vst v63  }
0x377: {  	_ = 	snop  }
0x378: {  	[spmem:s4] =	stream.indirect.scatter.add.f32 [tilespmem:s21], [sflag:$0x3], $0x80, s9, s20, $0xb8;
	[tilespmem:$0x1D000] =	vst v63  }
0x379: {  	_ =	swait.ge [sflag:s18], $0x4000  }
0x37a: {  	[sflag:s18] =	ssyncset.done $0x0  }
0x37b: {  	[sflag:s18] =	ssyncadd.s32 $0xFFFFC000  }
0x37c: {  	_ =	swait.ge [sflag:s24], $0x4000  }
0x37d: {  	[sflag:s24] =	ssyncset.done $0x0  }
0x37e: {  	[sflag:s24] =	ssyncadd.s32 $0xFFFFC000  }
0x37f: {  	[tilespmem:s21], [sflag:$0x1] =	stream.indirect.gather [hbm4b:s1+s20], $0x80, s11, s20, $0xb8;
	[tilespmem:$0x1D000] =	vst v63  }
0x380: {  	_ = 	snop  }
0x381: {  	[spmem:s4] =	stream.indirect.scatter.add.f32 [tilespmem:s23], [sflag:$0x3], $0x80, s12, s20, $0xb8;
	[tilespmem:$0x1D000] =	vst v63  }
0x382: {  	_ =	swait.ge [sflag:s18], $0x4000  }
0x383: {  	[sflag:s18] =	ssyncset.done $0x0  }
0x384: {  	[sflag:s18] =	ssyncadd.s32 $0xFFFFC000  }
0x385: {  	_ =	swait.ge [sflag:s22], $0x4000  }
0x386: {  	[sflag:s22] =	ssyncset.done $0x0  }
0x387: {  	s25 =	simm.s32 $0x480;
	[sflag:s22] =	ssyncadd.s32 $0xFFFFC000  }
0x388: {  	[tilespmem:s23], [sflag:$0x2] =	stream.indirect.gather [hbm4b:s1+s20], $0x80, s25, s20, $0xb8;
	[tilespmem:$0x1D000] =	vst v63  }
0x389: {  	_ = 	snop  }
0x38a: {  	[spmem:s4] =	stream.indirect.scatter.add.f32 [tilespmem:s21], [sflag:$0x3], $0x80, s10, s20, $0xb8;
	[tilespmem:$0x1D000] =	vst v63  }
0x38b: {  	_ =	swait.ge [sflag:s18], $0x4000  }
0x38c: {  	[sflag:s18] =	ssyncset.done $0x0  }
0x38d: {  	[sflag:s18] =	ssyncadd.s32 $0xFFFFC000  }
0x38e: {  	_ =	swait.ge [sflag:s24], $0x4000  }
0x38f: {  	[sflag:s24] =	ssyncset.done $0x0  }
0x390: {  	s26 =	simm.s32 $0x500;
	[sflag:s24] =	ssyncadd.s32 $0xFFFFC000  }
0x391: {  	[tilespmem:s21], [sflag:$0x1] =	stream.indirect.gather [hbm4b:s1+s20], $0x80, s26, s20, $0xb8;
	[tilespmem:$0x1D000] =	vst v63  }
0x392: {  	s3 =	simm.s32 $0xC80  }
0x393: {  	[spmem:s4] =	stream.indirect.scatter.add.f32 [tilespmem:s23], [sflag:$0x3], $0x80, s3, s20, $0xb8;
	[tilespmem:$0x1D000] =	vst v63  }
0x394: {  	_ =	swait.ge [sflag:s18], $0x4000  }
0x395: {  	[sflag:s18] =	ssyncset.done $0x0  }
0x396: {  	[sflag:s18] =	ssyncadd.s32 $0xFFFFC000  }
0x397: {  	_ =	swait.ge [sflag:s22], $0x4000  }
0x398: {  	[sflag:s22] =	ssyncset.done $0x0  }
0x399: {  	s6 =	simm.s32 $0x580;
	[sflag:s22] =	ssyncadd.s32 $0xFFFFC000  }
0x39a: {  	[tilespmem:s23], [sflag:$0x2] =	stream.indirect.gather [hbm4b:s1+s20], $0x80, s6, s20, $0xb8;
	[tilespmem:$0x1D000] =	vst v63  }
0x39b: {  	s7 =	simm.s32 $0xD00  }
0x39c: {  	[spmem:s4] =	stream.indirect.scatter.add.f32 [tilespmem:s21], [sflag:$0x3], $0x80, s7, s20, $0xb8;
	[tilespmem:$0x1D000] =	vst v63  }
0x39d: {  	_ =	swait.ge [sflag:s18], $0x4000  }
0x39e: {  	[sflag:s18] =	ssyncset.done $0x0  }
0x39f: {  	[sflag:s18] =	ssyncadd.s32 $0xFFFFC000  }
0x3a0: {  	_ =	swait.ge [sflag:s24], $0x4000  }
0x3a1: {  	[sflag:s24] =	ssyncset.done $0x0  }
0x3a2: {  	s8 =	simm.s32 $0x600;
	[sflag:s24] =	ssyncadd.s32 $0xFFFFC000  }
0x3a3: {  	[tilespmem:s21], [sflag:$0x1] =	stream.indirect.gather [hbm4b:s1+s20], $0x80, s8, s20, $0xb8;
	[tilespmem:$0x1D000] =	vst v63  }
0x3a4: {  	s9 =	simm.s32 $0xD80  }
0x3a5: {  	[spmem:s4] =	stream.indirect.scatter.add.f32 [tilespmem:s23], [sflag:$0x3], $0x80, s9, s20, $0xb8;
	[tilespmem:$0x1D000] =	vst v63  }
0x3a6: {  	_ =	swait.ge [sflag:s18], $0x4000  }
0x3a7: {  	[sflag:s18] =	ssyncset.done $0x0  }
0x3a8: {  	[sflag:s18] =	ssyncadd.s32 $0xFFFFC000  }
0x3a9: {  	_ =	swait.ge [sflag:s22], $0x4000  }
0x3aa: {  	[sflag:s22] =	ssyncset.done $0x0  }
0x3ab: {  	s10 =	simm.s32 $0x680;
	[sflag:s22] =	ssyncadd.s32 $0xFFFFC000  }
0x3ac: {  	[tilespmem:s23], [sflag:$0x2] =	stream.indirect.gather [hbm4b:s1+s20], $0x80, s10, s20, $0xb8;
	[tilespmem:$0x1D000] =	vst v63  }
0x3ad: {  	s11 =	simm.s32 $0xE00  }
0x3ae: {  	[spmem:s4] =	stream.indirect.scatter.add.f32 [tilespmem:s21], [sflag:$0x3], $0x80, s11, s20, $0xb8;
	[tilespmem:$0x1D000] =	vst v63  }
0x3af: {  	_ =	swait.ge [sflag:s18], $0x4000  }
0x3b0: {  	[sflag:s18] =	ssyncset.done $0x0  }
0x3b1: {  	[sflag:s18] =	ssyncadd.s32 $0xFFFFC000  }
0x3b2: {  	_ =	swait.ge [sflag:s24], $0x4000  }
0x3b3: {  	[sflag:s24] =	ssyncset.done $0x0  }
0x3b4: {  	s12 =	simm.s32 $0x700;
	[sflag:s24] =	ssyncadd.s32 $0xFFFFC000  }
0x3b5: {  	[tilespmem:s21], [sflag:$0x1] =	stream.indirect.gather [hbm4b:s1+s20], $0x80, s12, s20, $0xb8;
	[tilespmem:$0x1D000] =	vst v63  }
0x3b6: {  	s13 =	simm.s32 $0xE80  }
0x3b7: {  	[spmem:s4] =	stream.indirect.scatter.add.f32 [tilespmem:s23], [sflag:$0x3], $0x80, s13, s20, $0xb8;
	[tilespmem:$0x1D000] =	vst v63  }
0x3b8: {  	_ =	swait.ge [sflag:s18], $0x4000  }
0x3b9: {  	[sflag:s18] =	ssyncset.done $0x0  }
0x3ba: {  	[sflag:s18] =	ssyncadd.s32 $0xFFFFC000  }
0x3bb: {  	_ =	swait.ge [sflag:s22], $0x4000  }
0x3bc: {  	[sflag:s22] =	ssyncset.done $0x0  }
0x3bd: {  	s17 =	simm.s32 $0x780;
	[sflag:s22] =	ssyncadd.s32 $0xFFFFC000  }
0x3be: {  	[tilespmem:s23], [sflag:$0x2] =	stream.indirect.gather [hbm4b:s1+s20], $0x80, s17, s20, $0xb8;
	[tilespmem:$0x1D000] =	vst v63  }
0x3bf: {  	s25 =	simm.s32 $0xF00  }
0x3c0: {  	[spmem:s4] =	stream.indirect.scatter.add.f32 [tilespmem:s21], [sflag:$0x3], $0x80, s25, s20, $0xb8;
	[tilespmem:$0x1D000] =	vst v63  }
0x3c1: {  	_ =	swait.ge [sflag:s18], $0x4000  }
0x3c2: {  	[sflag:s18] =	ssyncset.done $0x0  }
0x3c3: {  	[sflag:s18] =	ssyncadd.s32 $0xFFFFC000  }
0x3c4: {  	_ =	swait.ge [sflag:s24], $0x4000  }
0x3c5: {  	[sflag:s24] =	ssyncset.done $0x0  }
0x3c6: {  	s26 =	simm.s32 $0xF80;
	[sflag:s24] =	ssyncadd.s32 $0xFFFFC000  }
0x3c7: {  	[spmem:s4] =	stream.indirect.scatter.add.f32 [tilespmem:s23], [sflag:$0x3], $0x80, s26, s20, $0xb8;
	[tilespmem:$0x1D000] =	vst v63  }
0x3c8: {  	_ =	swait.ge [sflag:s18], $0x4000  }
0x3c9: {  	[sflag:s18] =	ssyncset.done $0x0  }
0x3ca: {  	[sflag:s18] =	ssyncadd.s32 $0xFFFFC000  }
0x3cb: {  	[bflag:$0x0] =	sbarrier.arrive $0xFFFF  }
0x3cc: {  	s10 =	rddreg [dreg:$0x6]  }
0x3cd: {  	s6 =	rddreg [dreg:$0xa]  }
0x3ce: {  	s0 =	rddreg [dreg:$0x11]  }
0x3cf: {  	[hbm:s6], [sflag:s10] =	dma.local @p1 [spmem:s0], $0x2080  }
0x3d0: {  	s28 =	simm.s32 $0x280;
	s6 =	simm.s32 @p1 $0x3  }
0x3d1: {  	s29 =	simm.s32 $0xA00;
	s30 =	simm.s32 $0x300;
	_ =	swait.ge @p1 [sflag:s6], $0x2080  }
0x3d2: {  	s31 =	simm.s32 $0x480;
	[sflag:s6] =	ssyncset.done @p1 $0x0;
	s0 =	rddreg [dreg:$0x10]  }
0x3d3: {  	s3 =	simm.s32 $0x380;
	[sflag:s6] =	ssyncadd.s32 @p1 $0xFFFFDF80;
	s6 =	rddreg [dreg:$0x8]  }
0x3d4: {  	[hbm:s6], [sflag:s10] =	dma.local @!p1 [spmem:s0], $0x2780  }
.Ltmp6:
0x3d5: {  	s7 =	simm.s32 $0x180;
	s9 =	simm.s32 $0xB00;
	(pc) =	sbr.rel .LBB2_8-.Ltmp6, $4  }
0x3d6: {  	s11 =	simm.s32 $0x400;
	s12 =	simm.s32 $0xB80;
	s6 =	simm.s32 @!p1 $0x3  }
0x3d7: {  	s13 =	simm.s32 $0x880;
	s17 =	simm.s32 $0x900;
	_ =	swait.ge @!p1 [sflag:s6], $0x2780  }
0x3d8: {  	s25 =	simm.s32 $0x200;
	s26 =	simm.s32 $0x980;
	[sflag:s6] =	ssyncset.done @!p1 $0x0  }
0x3d9: {  	s0 =	simm.s32 $0xA80;
	s8 =	rddreg [dreg:$0xf];
	[sflag:s6] =	ssyncadd.s32 @!p1 $0xFFFFD880  }
.LBB2_9:
0x3da: {  	_ =	sfence.sel $0x180000  }
0x3db: {  	[bflag:$0x0] =	sbarrier.arrive $0xFFFF  }
0x3dc: {  	_ =	strace $0x90000047  }
0x3dd: {  	s0 =	stileid.u32;
	[bflag:$0x2] =	sbarrier.arrive $0xFFFF  }
0x3de: {  	p0 =	sne.s32 s0, $0x0;
	s0 =	rddreg [dreg:$0x4]  }
0x3df: {  	s0 =	sadd.s32 @!p0 $0x100000, s0  }
0x3e0: {  	[sflag:s0] =	ssyncadd.tile.s32 @!p0 $0x1;
	_ =	shalt  }
.Lfunc_end2:
_tile_overlayer_lowered:
.L_overlay_start_2:
0x3e1: {  	(tag) =	ssettag $0x2  }
0x3e2: {  	s0 =	rddreg [dreg:$0x0];
	s2 =	stileid.u32  }
0x3e3: {  	s1 =	rddreg [dreg:$0x1];
	p0 =	sne.s32 s2, $0x0  }
0x3e4: {  	s3 =	rddreg [dreg:$0x2];
	[bflag:$0x3] =	sbarrier.arrive $0xFFFF;
	s2 =	simm.s32 @!p0 $0x1C03  }
0x3e5: {  	[timem:s3], [sflag:s2] =	dma.local @!p0 [hbm:s0], s1  }
0x3e6: {  	s0 =	simm.s32 @!p0 $0x3  }
0x3e7: {  	_ =	swait.ge @!p0 [sflag:s0], s1  }
0x3e8: {  	s1 =	ssub.s32 @!p0 $0x0, s1;
	[sflag:s0] =	ssyncset.done @!p0 $0x0  }
0x3e9: {  	[sflag:s0] =	ssyncadd.s32 @!p0 s1  }
0x3ea: {  	[bflag:$0x3] =	sbarrier.arrive $0xFFFF  }
0x3eb: {  	_ =	shalt  }

</sc_bundles>
